<compile_context>
chip_gen: v7x
topology: tpu7x:2x2x1
jax: 0.10.2.dev20260603
libtpu: 0.0.44.dev20260713+nightly
codegen_flags: <defaults>
</compile_context>

<pallas_src>
import functools

import jax
import jax.numpy as jnp
from jax import lax
from jax.experimental import pallas as pl
from jax.experimental.pallas import tpu as pltpu
from jax.experimental.pallas import tpu_sc as plsc

NC = 2
NS = 16
NW = NC * NS
CH = 128
IB = 16
EC = 2048


def _round_up(x, m):
    return (x + m - 1) // m * m


def _make_sc_aggregate(n_pad, k_chunks, d):
    stripe = n_pad // NS
    ZB = stripe // CH
    mesh = plsc.VectorSubcoreMesh(core_axis_name="c", subcore_axis_name="s")

    @functools.partial(
        pl.kernel,
        out_type=jax.ShapeDtypeStruct((NC, n_pad, d), jnp.float32),
        mesh=mesh,
        scratch_types=[
            pltpu.VMEM((IB, CH), jnp.int32),
            pltpu.VMEM((IB, CH), jnp.int32),
            pltpu.VMEM((ZB, CH), jnp.int32),
            pltpu.VMEM((CH, d), jnp.float32),
            pltpu.VMEM((CH, d), jnp.float32),
            pltpu.VMEM_SHARED((n_pad, d), jnp.float32),
            pltpu.SemaphoreType.DMA,
            pltpu.SemaphoreType.DMA,
        ],
    )
    def sc_aggregate(src_hbm, dst_hbm, node_hbm, iota_hbm, zrows_hbm,
                     sums_out, src_v, dst_v, iota_v, rows_a, rows_b,
                     acc_sh, sem_a, sem_b):
        c = lax.axis_index("c")
        s = lax.axis_index("s")
        wid = s * NC + c

        pltpu.sync_copy(iota_hbm.at[s], iota_v)
        pltpu.sync_copy(zrows_hbm, rows_a)
        for z in range(ZB):
            pltpu.sync_copy(rows_a, acc_sh.at[iota_v.at[z]])
        plsc.subcore_barrier()

        def group(g, carry):
            pltpu.sync_copy(src_hbm.at[wid, pl.ds(g * IB, IB)], src_v)
            pltpu.sync_copy(dst_hbm.at[wid, pl.ds(g * IB, IB)], dst_v)
            pltpu.async_copy(node_hbm.at[src_v.at[0]], rows_a, sem_a)
            for j in range(IB):
                cur, sc = (rows_a, sem_a) if j % 2 == 0 else (rows_b, sem_b)
                nxt, sn = (rows_b, sem_b) if j % 2 == 0 else (rows_a, sem_a)
                pltpu.make_async_copy(node_hbm.at[src_v.at[j]], cur, sc).wait()
                if j + 1 < IB:
                    pltpu.async_copy(node_hbm.at[src_v.at[j + 1]], nxt, sn)
                pltpu.sync_copy(cur, acc_sh.at[dst_v.at[j]], add=True)
            return carry

        lax.fori_loop(0, k_chunks // IB, group, 0)
        plsc.subcore_barrier()

        for z in range(ZB):
            r0 = s * stripe + z * CH
            pltpu.async_copy(acc_sh.at[iota_v.at[z]], rows_a, sem_a).wait()
            pltpu.sync_copy(rows_a, sums_out.at[c, pl.ds(r0, CH)])

    return sc_aggregate


def _tc_counts(dst2d, n_pad, d):
    nq = n_pad // d
    nblk = dst2d.shape[0]
    dst2d = dst2d.reshape(nblk, 1, EC)

    def body(d_ref, o_ref):
        @pl.when(pl.program_id(0) == 0)
        def _():
            o_ref[...] = jnp.zeros_like(o_ref)

        dv = d_ref[0, 0]
        q = (dv >> (d.bit_length() - 1))[:, None]
        r = (dv & (d - 1))[:, None]
        m = (q == lax.broadcasted_iota(jnp.int32, (1, nq), 1)
             ).astype(jnp.float32)
        p = (r == lax.broadcasted_iota(jnp.int32, (1, d), 1)
             ).astype(jnp.float32)
        o_ref[...] += lax.dot_general(
            m, p, (((0,), (0,)), ((), ())),
            preferred_element_type=jnp.float32)

    return pl.pallas_call(
        body,
        out_shape=jax.ShapeDtypeStruct((nq, d), jnp.float32),
        grid=(nblk,),
        in_specs=[pl.BlockSpec((1, 1, EC), lambda i: (i, 0, 0))],
        out_specs=pl.BlockSpec((nq, d), lambda i: (0, 0)),
    )(dst2d)


def _tc_combine(x_pad, sums, cnts2d, W, b, n_pad, d, rows_blk):
    def body(x_ref, s_ref, c_ref, w_ref, b_ref, o_ref):
        cnt = jnp.maximum(c_ref[0, 0], 1.0)
        agg = (s_ref[0] + s_ref[1]) / cnt[:, None]
        y = (jnp.dot(x_ref[...], w_ref[:d, :],
                     preferred_element_type=jnp.float32,
                     precision=lax.Precision.HIGHEST)
             + jnp.dot(agg, w_ref[d:, :],
                       preferred_element_type=jnp.float32,
                       precision=lax.Precision.HIGHEST)
             + b_ref[...])
        o_ref[...] = jnp.maximum(y, 0.0)

    return pl.pallas_call(
        body,
        out_shape=jax.ShapeDtypeStruct((n_pad, d), jnp.float32),
        grid=(n_pad // rows_blk,),
        in_specs=[
            pl.BlockSpec((rows_blk, d), lambda i: (i, 0)),
            pl.BlockSpec((NC, rows_blk, d), lambda i: (0, i, 0)),
            pl.BlockSpec((1, 1, rows_blk), lambda i: (i, 0, 0)),
            pl.BlockSpec((2 * d, d), lambda i: (0, 0)),
            pl.BlockSpec((1, d), lambda i: (0, 0)),
        ],
        out_specs=pl.BlockSpec((rows_blk, d), lambda i: (i, 0)),
    )(x_pad, sums, cnts2d, W, b.reshape(1, d))


def kernel(edge_index, node_attr, W, b):
    n, d = node_attr.shape
    e = edge_index.shape[1]

    e_pad = _round_up(e, NW * CH * IB)
    k_chunks = e_pad // (NW * CH)
    n_pad = _round_up(n + 1, 2048)
    rows_blk = 512

    src = edge_index[0].astype(jnp.int32)
    dst = edge_index[1].astype(jnp.int32)
    src3 = jnp.pad(src, (0, e_pad - e)).reshape(NW, k_chunks, CH)
    dst3 = jnp.pad(dst, (0, e_pad - e),
                   constant_values=n).reshape(NW, k_chunks, CH)

    iota = jnp.arange(n_pad, dtype=jnp.int32).reshape(NS, n_pad // NS // CH, CH)
    zrows = jnp.zeros((CH, d), jnp.float32)

    sc_aggregate = _make_sc_aggregate(n_pad, k_chunks, d)
    sums = sc_aggregate(src3, dst3, node_attr, iota, zrows)

    e_pad2 = _round_up(e, EC)
    dst2d = jnp.pad(dst, (0, e_pad2 - e),
                    constant_values=n).reshape(e_pad2 // EC, EC)
    cnts = _tc_counts(dst2d, n_pad, d)
    cnts2d = cnts.reshape(n_pad // rows_blk, 1, rows_blk)

    x_pad = jnp.pad(node_attr, ((0, n_pad - n), (0, 0)))
    out = _tc_combine(x_pad, sums, cnts2d, W, b, n_pad, d, rows_blk)
    return out[:n]

# --- scband reference (transcript-rebuilt; emitter-appended) ---
"""Pipeline reference for scband-sagelayer-8229157339894 (READ-ONLY COPY).

The authoritative reference and input builder live on the scoring server;
editing this copy changes nothing except your own understanding.
"""

import jax, jax.numpy as jnp
import numpy as np

N = 10000
E = 320000
D = 128

def setup_inputs(seed: int = 0) -> dict:
    key = jax.random.key(seed)
    k1, k2, k3 = jax.random.split(key, 3)
    edge_index = jax.random.randint(k1, (2, E), 0, N, dtype=jnp.int64)
    node_attr = jax.random.normal(k2, (N, D), dtype=jnp.float32)
    # nn.Linear(in_channels*2, out_channels): weight [out, in], bias [out]
    W = jax.random.uniform(k3, (2 * D, D), dtype=jnp.float32,
                           minval=-1.0 / np.sqrt(2 * D), maxval=1.0 / np.sqrt(2 * D))
    b = jnp.zeros((D,), dtype=jnp.float32)
    return {"edge_index": edge_index, "node_attr": node_attr, "W": W, "b": b}

def reference(edge_index, node_attr, W, b):
    num_nodes = node_attr.shape[0]  # == edge_index.max()+1 with randint fill
    src = edge_index[0]
    dst = edge_index[1]
    src_features = node_attr[src]  # gather [E, D]
    sums = jax.ops.segment_sum(src_features, dst, num_segments=num_nodes)
    counts = jax.ops.segment_sum(jnp.ones((src.shape[0],), dtype=jnp.float32), dst,
                                 num_segments=num_nodes)
    aggregated = sums / jnp.clip(counts, 1.0, None)[:, None]  # scatter_mean; empty segs -> 0
    node_concat = jnp.concatenate([node_attr, aggregated], axis=1)
    new_node_embeddings = jax.nn.relu(node_concat @ W + b)
    return new_node_embeddings

if __name__ == "__main__":
    import jax
    _d = setup_inputs()
    print(jax.jit(kernel)(*tuple(_d.values())))

</pallas_src>

<mosaic_0001>
#map = affine_map<(d0, d1) -> (0, 0, 0)>
#map1 = affine_map<(d0, d1) -> (0, 0)>
module attributes {stable_mosaic.version = 14 : i64} {
  func.func @sc_aggregate(%arg0: i32, %arg1: i32, %arg2: memref<32x80x128xi32, #tpu.memory_space<hbm>>, %arg3: memref<32x80x128xi32, #tpu.memory_space<hbm>>, %arg4: memref<10000x128xf32, #tpu.memory_space<hbm>>, %arg5: memref<16x5x128xi32, #tpu.memory_space<hbm>>, %arg6: memref<128x128xf32, #tpu.memory_space<hbm>>, %arg7: memref<2x10240x128xf32, #tpu.memory_space<hbm>>, %arg8: memref<16x128xi32, #tpu.memory_space<vmem>>, %arg9: memref<16x128xi32, #tpu.memory_space<vmem>>, %arg10: memref<5x128xi32, #tpu.memory_space<vmem>>, %arg11: memref<128x128xf32, #tpu.memory_space<vmem>>, %arg12: memref<128x128xf32, #tpu.memory_space<vmem>>, %arg13: memref<10240x128xf32, #tpu.memory_space<vmem_shared>>, %arg14: memref<!tpu.dma_semaphore, #tpu.memory_space<semaphore_mem>>, %arg15: memref<!tpu.dma_semaphore, #tpu.memory_space<semaphore_mem>>) attributes {dimension_semantics = [#tpu.dimension_semantics<core_parallel>, #tpu.dimension_semantics<subcore_parallel>], iteration_bounds = array<i64: 2, 16>, scalar_prefetch = 0 : i64, scratch_operands = 8 : i64, tpu.core_type = #tpu.core_type<sc_vector_subcore>, window_params = [{transform_indices = #map}, {transform_indices = #map}, {transform_indices = #map1}, {transform_indices = #map}, {transform_indices = #map1}, {transform_indices = #map}]} {
    %mul3A = arith.constant 2 : i32
    %mul3A_0 = arith.muli %arg1, %mul3A : i32
    %add3A = arith.addi %mul3A_0, %arg0 : i32
    "tpu.region"() ({
      %run_scoped3A_99 = tpu.sem_alloc : memref<!tpu.dma_semaphore, #tpu.memory_space<semaphore_mem>>
      %dma_start3A_100 = arith.constant 0 : i32
      %dma_start3A_101 = arith.constant 0 : i32
      %dma_start3A_102 = tpu.memref_slice %arg5[%arg1, %dma_start3A_100, %dma_start3A_101] : memref<16x5x128xi32, #tpu.memory_space<hbm>> -> memref<1x5x128xi32, #tpu.memory_space<hbm>>
      %dma_start3A_103 = tpu.memref_squeeze %dma_start3A_102 : memref<1x5x128xi32, #tpu.memory_space<hbm>> -> memref<5x128xi32, #tpu.memory_space<hbm>>
      %dma_start3A_104 = arith.constant 0 : i32
      %dma_start3A_105 = arith.constant 0 : i32
      %dma_start3A_106 = tpu.memref_slice %arg5[%arg1, %dma_start3A_104, %dma_start3A_105] : memref<16x5x128xi32, #tpu.memory_space<hbm>> -> memref<1x5x128xi32, #tpu.memory_space<hbm>>
      %dma_start3A_107 = tpu.memref_squeeze %dma_start3A_106 : memref<1x5x128xi32, #tpu.memory_space<hbm>> -> memref<5x128xi32, #tpu.memory_space<hbm>>
      tpu.enqueue_dma source(%dma_start3A_107 : memref<5x128xi32, #tpu.memory_space<hbm>>) target(%arg10 : memref<5x128xi32, #tpu.memory_space<vmem>>) target_semaphore(%run_scoped3A_99 : memref<!tpu.dma_semaphore, #tpu.memory_space<semaphore_mem>>)
      %dma_wait3A_108 = arith.constant 0 : i32
      %dma_wait3A_109 = arith.constant 0 : i32
      %dma_wait3A_110 = tpu.memref_slice %arg5[%arg1, %dma_wait3A_108, %dma_wait3A_109] : memref<16x5x128xi32, #tpu.memory_space<hbm>> -> memref<1x5x128xi32, #tpu.memory_space<hbm>>
      %dma_wait3A_111 = tpu.memref_squeeze %dma_wait3A_110 : memref<1x5x128xi32, #tpu.memory_space<hbm>> -> memref<5x128xi32, #tpu.memory_space<hbm>>
      %dma_wait3A_112 = arith.constant 0 : i32
      %dma_wait3A_113 = arith.constant 0 : i32
      %dma_wait3A_114 = tpu.memref_slice %arg5[%arg1, %dma_wait3A_112, %dma_wait3A_113] : memref<16x5x128xi32, #tpu.memory_space<hbm>> -> memref<1x5x128xi32, #tpu.memory_space<hbm>>
      %dma_wait3A_115 = tpu.memref_squeeze %dma_wait3A_114 : memref<1x5x128xi32, #tpu.memory_space<hbm>> -> memref<5x128xi32, #tpu.memory_space<hbm>>
      tpu.wait_dma2 semaphore(%run_scoped3A_99 : memref<!tpu.dma_semaphore, #tpu.memory_space<semaphore_mem>>) src(%dma_wait3A_115 : memref<5x128xi32, #tpu.memory_space<hbm>>) dst(%arg10 : memref<5x128xi32, #tpu.memory_space<vmem>>)
      tpu.yield
    }) : () -> ()
    "tpu.region"() ({
      %run_scoped3A_99 = tpu.sem_alloc : memref<!tpu.dma_semaphore, #tpu.memory_space<semaphore_mem>>
      tpu.enqueue_dma source(%arg6 : memref<128x128xf32, #tpu.memory_space<hbm>>) target(%arg11 : memref<128x128xf32, #tpu.memory_space<vmem>>) target_semaphore(%run_scoped3A_99 : memref<!tpu.dma_semaphore, #tpu.memory_space<semaphore_mem>>)
      tpu.wait_dma2 semaphore(%run_scoped3A_99 : memref<!tpu.dma_semaphore, #tpu.memory_space<semaphore_mem>>) src(%arg6 : memref<128x128xf32, #tpu.memory_space<hbm>>) dst(%arg11 : memref<128x128xf32, #tpu.memory_space<vmem>>)
      tpu.yield
    }) : () -> ()
    %run_scoped3A = arith.constant 0 : i32
    "tpu.region"() ({
      %run_scoped3A_99 = tpu.sem_alloc : memref<!tpu.dma_semaphore, #tpu.memory_space<semaphore_mem>>
      %dma_start3A_100 = arith.constant 0 : i32
      %dma_start3A_101 = tpu.memref_slice %arg10[%run_scoped3A, %dma_start3A_100] : memref<5x128xi32, #tpu.memory_space<vmem>> -> memref<1x128xi32, #tpu.memory_space<vmem>>
      %dma_start3A_102 = tpu.memref_squeeze %dma_start3A_101 : memref<1x128xi32, #tpu.memory_space<vmem>> -> memref<128xi32, #tpu.memory_space<vmem>>
      %dma_start3A_103 = arith.constant 0 : i32
      %dma_start3A_104 = arith.constant 0 : i32
      %dma_start3A_105 = tpu.memref_slice %arg13[%dma_start3A_103, %dma_start3A_104] : memref<10240x128xf32, #tpu.memory_space<vmem_shared>> -> memref<10240x128xf32, #tpu.memory_space<vmem_shared>>
      tpu.enqueue_indirect_dma source(%arg11 : memref<128x128xf32, #tpu.memory_space<vmem>>) target(%dma_start3A_105 : memref<10240x128xf32, #tpu.memory_space<vmem_shared>>) offsets(%dma_start3A_102 : memref<128xi32, #tpu.memory_space<vmem>>) semaphore(%run_scoped3A_99 : memref<!tpu.dma_semaphore, #tpu.memory_space<semaphore_mem>>)
      %dma_wait3A_106 = arith.constant 0 : i32
      %dma_wait3A_107 = tpu.memref_slice %arg10[%run_scoped3A, %dma_wait3A_106] : memref<5x128xi32, #tpu.memory_space<vmem>> -> memref<1x128xi32, #tpu.memory_space<vmem>>
      %dma_wait3A_108 = tpu.memref_squeeze %dma_wait3A_107 : memref<1x128xi32, #tpu.memory_space<vmem>> -> memref<128xi32, #tpu.memory_space<vmem>>
      %dma_wait3A_109 = arith.constant 0 : i32
      %dma_wait3A_110 = arith.constant 0 : i32
      %dma_wait3A_111 = tpu.memref_slice %arg13[%dma_wait3A_109, %dma_wait3A_110] : memref<10240x128xf32, #tpu.memory_space<vmem_shared>> -> memref<10240x128xf32, #tpu.memory_space<vmem_shared>>
      tpu.wait_indirect_dma semaphore(%run_scoped3A_99 : memref<!tpu.dma_semaphore, #tpu.memory_space<semaphore_mem>>) src(%arg11 : memref<128x128xf32, #tpu.memory_space<vmem>>) dst(%dma_wait3A_111 : memref<10240x128xf32, #tpu.memory_space<vmem_shared>>)
      tpu.yield
    }) : () -> ()
    %run_scoped3A_1 = arith.constant 1 : i32
    "tpu.region"() ({
      %run_scoped3A_99 = tpu.sem_alloc : memref<!tpu.dma_semaphore, #tpu.memory_space<semaphore_mem>>
      %dma_start3A_100 = arith.constant 0 : i32
      %dma_start3A_101 = tpu.memref_slice %arg10[%run_scoped3A_1, %dma_start3A_100] : memref<5x128xi32, #tpu.memory_space<vmem>> -> memref<1x128xi32, #tpu.memory_space<vmem>>
      %dma_start3A_102 = tpu.memref_squeeze %dma_start3A_101 : memref<1x128xi32, #tpu.memory_space<vmem>> -> memref<128xi32, #tpu.memory_space<vmem>>
      %dma_start3A_103 = arith.constant 0 : i32
      %dma_start3A_104 = arith.constant 0 : i32
      %dma_start3A_105 = tpu.memref_slice %arg13[%dma_start3A_103, %dma_start3A_104] : memref<10240x128xf32, #tpu.memory_space<vmem_shared>> -> memref<10240x128xf32, #tpu.memory_space<vmem_shared>>
      tpu.enqueue_indirect_dma source(%arg11 : memref<128x128xf32, #tpu.memory_space<vmem>>) target(%dma_start3A_105 : memref<10240x128xf32, #tpu.memory_space<vmem_shared>>) offsets(%dma_start3A_102 : memref<128xi32, #tpu.memory_space<vmem>>) semaphore(%run_scoped3A_99 : memref<!tpu.dma_semaphore, #tpu.memory_space<semaphore_mem>>)
      %dma_wait3A_106 = arith.constant 0 : i32
      %dma_wait3A_107 = tpu.memref_slice %arg10[%run_scoped3A_1, %dma_wait3A_106] : memref<5x128xi32, #tpu.memory_space<vmem>> -> memref<1x128xi32, #tpu.memory_space<vmem>>
      %dma_wait3A_108 = tpu.memref_squeeze %dma_wait3A_107 : memref<1x128xi32, #tpu.memory_space<vmem>> -> memref<128xi32, #tpu.memory_space<vmem>>
      %dma_wait3A_109 = arith.constant 0 : i32
      %dma_wait3A_110 = arith.constant 0 : i32
      %dma_wait3A_111 = tpu.memref_slice %arg13[%dma_wait3A_109, %dma_wait3A_110] : memref<10240x128xf32, #tpu.memory_space<vmem_shared>> -> memref<10240x128xf32, #tpu.memory_space<vmem_shared>>
      tpu.wait_indirect_dma semaphore(%run_scoped3A_99 : memref<!tpu.dma_semaphore, #tpu.memory_space<semaphore_mem>>) src(%arg11 : memref<128x128xf32, #tpu.memory_space<vmem>>) dst(%dma_wait3A_111 : memref<10240x128xf32, #tpu.memory_space<vmem_shared>>)
      tpu.yield
    }) : () -> ()
    %run_scoped3A_2 = arith.constant 2 : i32
    "tpu.region"() ({
      %run_scoped3A_99 = tpu.sem_alloc : memref<!tpu.dma_semaphore, #tpu.memory_space<semaphore_mem>>
      %dma_start3A_100 = arith.constant 0 : i32
      %dma_start3A_101 = tpu.memref_slice %arg10[%run_scoped3A_2, %dma_start3A_100] : memref<5x128xi32, #tpu.memory_space<vmem>> -> memref<1x128xi32, #tpu.memory_space<vmem>>
      %dma_start3A_102 = tpu.memref_squeeze %dma_start3A_101 : memref<1x128xi32, #tpu.memory_space<vmem>> -> memref<128xi32, #tpu.memory_space<vmem>>
      %dma_start3A_103 = arith.constant 0 : i32
      %dma_start3A_104 = arith.constant 0 : i32
      %dma_start3A_105 = tpu.memref_slice %arg13[%dma_start3A_103, %dma_start3A_104] : memref<10240x128xf32, #tpu.memory_space<vmem_shared>> -> memref<10240x128xf32, #tpu.memory_space<vmem_shared>>
      tpu.enqueue_indirect_dma source(%arg11 : memref<128x128xf32, #tpu.memory_space<vmem>>) target(%dma_start3A_105 : memref<10240x128xf32, #tpu.memory_space<vmem_shared>>) offsets(%dma_start3A_102 : memref<128xi32, #tpu.memory_space<vmem>>) semaphore(%run_scoped3A_99 : memref<!tpu.dma_semaphore, #tpu.memory_space<semaphore_mem>>)
      %dma_wait3A_106 = arith.constant 0 : i32
      %dma_wait3A_107 = tpu.memref_slice %arg10[%run_scoped3A_2, %dma_wait3A_106] : memref<5x128xi32, #tpu.memory_space<vmem>> -> memref<1x128xi32, #tpu.memory_space<vmem>>
      %dma_wait3A_108 = tpu.memref_squeeze %dma_wait3A_107 : memref<1x128xi32, #tpu.memory_space<vmem>> -> memref<128xi32, #tpu.memory_space<vmem>>
      %dma_wait3A_109 = arith.constant 0 : i32
      %dma_wait3A_110 = arith.constant 0 : i32
      %dma_wait3A_111 = tpu.memref_slice %arg13[%dma_wait3A_109, %dma_wait3A_110] : memref<10240x128xf32, #tpu.memory_space<vmem_shared>> -> memref<10240x128xf32, #tpu.memory_space<vmem_shared>>
      tpu.wait_indirect_dma semaphore(%run_scoped3A_99 : memref<!tpu.dma_semaphore, #tpu.memory_space<semaphore_mem>>) src(%arg11 : memref<128x128xf32, #tpu.memory_space<vmem>>) dst(%dma_wait3A_111 : memref<10240x128xf32, #tpu.memory_space<vmem_shared>>)
      tpu.yield
    }) : () -> ()
    %run_scoped3A_3 = arith.constant 3 : i32
    "tpu.region"() ({
      %run_scoped3A_99 = tpu.sem_alloc : memref<!tpu.dma_semaphore, #tpu.memory_space<semaphore_mem>>
      %dma_start3A_100 = arith.constant 0 : i32
      %dma_start3A_101 = tpu.memref_slice %arg10[%run_scoped3A_3, %dma_start3A_100] : memref<5x128xi32, #tpu.memory_space<vmem>> -> memref<1x128xi32, #tpu.memory_space<vmem>>
      %dma_start3A_102 = tpu.memref_squeeze %dma_start3A_101 : memref<1x128xi32, #tpu.memory_space<vmem>> -> memref<128xi32, #tpu.memory_space<vmem>>
      %dma_start3A_103 = arith.constant 0 : i32
      %dma_start3A_104 = arith.constant 0 : i32
      %dma_start3A_105 = tpu.memref_slice %arg13[%dma_start3A_103, %dma_start3A_104] : memref<10240x128xf32, #tpu.memory_space<vmem_shared>> -> memref<10240x128xf32, #tpu.memory_space<vmem_shared>>
      tpu.enqueue_indirect_dma source(%arg11 : memref<128x128xf32, #tpu.memory_space<vmem>>) target(%dma_start3A_105 : memref<10240x128xf32, #tpu.memory_space<vmem_shared>>) offsets(%dma_start3A_102 : memref<128xi32, #tpu.memory_space<vmem>>) semaphore(%run_scoped3A_99 : memref<!tpu.dma_semaphore, #tpu.memory_space<semaphore_mem>>)
      %dma_wait3A_106 = arith.constant 0 : i32
      %dma_wait3A_107 = tpu.memref_slice %arg10[%run_scoped3A_3, %dma_wait3A_106] : memref<5x128xi32, #tpu.memory_space<vmem>> -> memref<1x128xi32, #tpu.memory_space<vmem>>
      %dma_wait3A_108 = tpu.memref_squeeze %dma_wait3A_107 : memref<1x128xi32, #tpu.memory_space<vmem>> -> memref<128xi32, #tpu.memory_space<vmem>>
      %dma_wait3A_109 = arith.constant 0 : i32
      %dma_wait3A_110 = arith.constant 0 : i32
      %dma_wait3A_111 = tpu.memref_slice %arg13[%dma_wait3A_109, %dma_wait3A_110] : memref<10240x128xf32, #tpu.memory_space<vmem_shared>> -> memref<10240x128xf32, #tpu.memory_space<vmem_shared>>
      tpu.wait_indirect_dma semaphore(%run_scoped3A_99 : memref<!tpu.dma_semaphore, #tpu.memory_space<semaphore_mem>>) src(%arg11 : memref<128x128xf32, #tpu.memory_space<vmem>>) dst(%dma_wait3A_111 : memref<10240x128xf32, #tpu.memory_space<vmem_shared>>)
      tpu.yield
    }) : () -> ()
    %run_scoped3A_4 = arith.constant 4 : i32
    "tpu.region"() ({
      %run_scoped3A_99 = tpu.sem_alloc : memref<!tpu.dma_semaphore, #tpu.memory_space<semaphore_mem>>
      %dma_start3A_100 = arith.constant 0 : i32
      %dma_start3A_101 = tpu.memref_slice %arg10[%run_scoped3A_4, %dma_start3A_100] : memref<5x128xi32, #tpu.memory_space<vmem>> -> memref<1x128xi32, #tpu.memory_space<vmem>>
      %dma_start3A_102 = tpu.memref_squeeze %dma_start3A_101 : memref<1x128xi32, #tpu.memory_space<vmem>> -> memref<128xi32, #tpu.memory_space<vmem>>
      %dma_start3A_103 = arith.constant 0 : i32
      %dma_start3A_104 = arith.constant 0 : i32
      %dma_start3A_105 = tpu.memref_slice %arg13[%dma_start3A_103, %dma_start3A_104] : memref<10240x128xf32, #tpu.memory_space<vmem_shared>> -> memref<10240x128xf32, #tpu.memory_space<vmem_shared>>
      tpu.enqueue_indirect_dma source(%arg11 : memref<128x128xf32, #tpu.memory_space<vmem>>) target(%dma_start3A_105 : memref<10240x128xf32, #tpu.memory_space<vmem_shared>>) offsets(%dma_start3A_102 : memref<128xi32, #tpu.memory_space<vmem>>) semaphore(%run_scoped3A_99 : memref<!tpu.dma_semaphore, #tpu.memory_space<semaphore_mem>>)
      %dma_wait3A_106 = arith.constant 0 : i32
      %dma_wait3A_107 = tpu.memref_slice %arg10[%run_scoped3A_4, %dma_wait3A_106] : memref<5x128xi32, #tpu.memory_space<vmem>> -> memref<1x128xi32, #tpu.memory_space<vmem>>
      %dma_wait3A_108 = tpu.memref_squeeze %dma_wait3A_107 : memref<1x128xi32, #tpu.memory_space<vmem>> -> memref<128xi32, #tpu.memory_space<vmem>>
      %dma_wait3A_109 = arith.constant 0 : i32
      %dma_wait3A_110 = arith.constant 0 : i32
      %dma_wait3A_111 = tpu.memref_slice %arg13[%dma_wait3A_109, %dma_wait3A_110] : memref<10240x128xf32, #tpu.memory_space<vmem_shared>> -> memref<10240x128xf32, #tpu.memory_space<vmem_shared>>
      tpu.wait_indirect_dma semaphore(%run_scoped3A_99 : memref<!tpu.dma_semaphore, #tpu.memory_space<semaphore_mem>>) src(%arg11 : memref<128x128xf32, #tpu.memory_space<vmem>>) dst(%dma_wait3A_111 : memref<10240x128xf32, #tpu.memory_space<vmem_shared>>)
      tpu.yield
    }) : () -> ()
    %barrier3A = arith.constant 0 : index
    tpu.barrier barrier_id(%barrier3A)
    %scan3A = arith.constant 0 : i32
    %scan3A_5 = arith.constant 0 : i32
    %scan3A_6 = arith.constant 5 : i32
    %scan3A_7 = arith.addi %scan3A_5, %scan3A_6 : i32
    %scan3A_8 = arith.constant 1 : i32
    scf.for %scan3A_99 = %scan3A_5 to %scan3A_7 step %scan3A_8  : i32 {
      %mul3A_100 = arith.constant 16 : i32
      %mul3A_101 = arith.muli %scan3A_99, %mul3A_100 : i32
      "tpu.region"() ({
        %run_scoped3A_344 = tpu.sem_alloc : memref<!tpu.dma_semaphore, #tpu.memory_space<semaphore_mem>>
        %dma_start3A_345 = arith.constant 0 : i32
        %dma_start3A_346 = tpu.memref_slice %arg2[%add3A, %mul3A_101, %dma_start3A_345] : memref<32x80x128xi32, #tpu.memory_space<hbm>> -> memref<1x16x128xi32, #tpu.memory_space<hbm>>
        %dma_start3A_347 = tpu.memref_squeeze %dma_start3A_346 : memref<1x16x128xi32, #tpu.memory_space<hbm>> -> memref<16x128xi32, #tpu.memory_space<hbm>>
        %dma_start3A_348 = arith.constant 0 : i32
        %dma_start3A_349 = tpu.memref_slice %arg2[%add3A, %mul3A_101, %dma_start3A_348] : memref<32x80x128xi32, #tpu.memory_space<hbm>> -> memref<1x16x128xi32, #tpu.memory_space<hbm>>
        %dma_start3A_350 = tpu.memref_squeeze %dma_start3A_349 : memref<1x16x128xi32, #tpu.memory_space<hbm>> -> memref<16x128xi32, #tpu.memory_space<hbm>>
        tpu.enqueue_dma source(%dma_start3A_350 : memref<16x128xi32, #tpu.memory_space<hbm>>) target(%arg8 : memref<16x128xi32, #tpu.memory_space<vmem>>) target_semaphore(%run_scoped3A_344 : memref<!tpu.dma_semaphore, #tpu.memory_space<semaphore_mem>>)
        %dma_wait3A_351 = arith.constant 0 : i32
        %dma_wait3A_352 = tpu.memref_slice %arg2[%add3A, %mul3A_101, %dma_wait3A_351] : memref<32x80x128xi32, #tpu.memory_space<hbm>> -> memref<1x16x128xi32, #tpu.memory_space<hbm>>
        %dma_wait3A_353 = tpu.memref_squeeze %dma_wait3A_352 : memref<1x16x128xi32, #tpu.memory_space<hbm>> -> memref<16x128xi32, #tpu.memory_space<hbm>>
        %dma_wait3A_354 = arith.constant 0 : i32
        %dma_wait3A_355 = tpu.memref_slice %arg2[%add3A, %mul3A_101, %dma_wait3A_354] : memref<32x80x128xi32, #tpu.memory_space<hbm>> -> memref<1x16x128xi32, #tpu.memory_space<hbm>>
        %dma_wait3A_356 = tpu.memref_squeeze %dma_wait3A_355 : memref<1x16x128xi32, #tpu.memory_space<hbm>> -> memref<16x128xi32, #tpu.memory_space<hbm>>
        tpu.wait_dma2 semaphore(%run_scoped3A_344 : memref<!tpu.dma_semaphore, #tpu.memory_space<semaphore_mem>>) src(%dma_wait3A_356 : memref<16x128xi32, #tpu.memory_space<hbm>>) dst(%arg8 : memref<16x128xi32, #tpu.memory_space<vmem>>)
        tpu.yield
      }) : () -> ()
      %mul3A_102 = arith.constant 16 : i32
      %mul3A_103 = arith.muli %scan3A_99, %mul3A_102 : i32
      "tpu.region"() ({
        %run_scoped3A_344 = tpu.sem_alloc : memref<!tpu.dma_semaphore, #tpu.memory_space<semaphore_mem>>
        %dma_start3A_345 = arith.constant 0 : i32
        %dma_start3A_346 = tpu.memref_slice %arg3[%add3A, %mul3A_103, %dma_start3A_345] : memref<32x80x128xi32, #tpu.memory_space<hbm>> -> memref<1x16x128xi32, #tpu.memory_space<hbm>>
        %dma_start3A_347 = tpu.memref_squeeze %dma_start3A_346 : memref<1x16x128xi32, #tpu.memory_space<hbm>> -> memref<16x128xi32, #tpu.memory_space<hbm>>
        %dma_start3A_348 = arith.constant 0 : i32
        %dma_start3A_349 = tpu.memref_slice %arg3[%add3A, %mul3A_103, %dma_start3A_348] : memref<32x80x128xi32, #tpu.memory_space<hbm>> -> memref<1x16x128xi32, #tpu.memory_space<hbm>>
        %dma_start3A_350 = tpu.memref_squeeze %dma_start3A_349 : memref<1x16x128xi32, #tpu.memory_space<hbm>> -> memref<16x128xi32, #tpu.memory_space<hbm>>
        tpu.enqueue_dma source(%dma_start3A_350 : memref<16x128xi32, #tpu.memory_space<hbm>>) target(%arg9 : memref<16x128xi32, #tpu.memory_space<vmem>>) target_semaphore(%run_scoped3A_344 : memref<!tpu.dma_semaphore, #tpu.memory_space<semaphore_mem>>)
        %dma_wait3A_351 = arith.constant 0 : i32
        %dma_wait3A_352 = tpu.memref_slice %arg3[%add3A, %mul3A_103, %dma_wait3A_351] : memref<32x80x128xi32, #tpu.memory_space<hbm>> -> memref<1x16x128xi32, #tpu.memory_space<hbm>>
        %dma_wait3A_353 = tpu.memref_squeeze %dma_wait3A_352 : memref<1x16x128xi32, #tpu.memory_space<hbm>> -> memref<16x128xi32, #tpu.memory_space<hbm>>
        %dma_wait3A_354 = arith.constant 0 : i32
        %dma_wait3A_355 = tpu.memref_slice %arg3[%add3A, %mul3A_103, %dma_wait3A_354] : memref<32x80x128xi32, #tpu.memory_space<hbm>> -> memref<1x16x128xi32, #tpu.memory_space<hbm>>
        %dma_wait3A_356 = tpu.memref_squeeze %dma_wait3A_355 : memref<1x16x128xi32, #tpu.memory_space<hbm>> -> memref<16x128xi32, #tpu.memory_space<hbm>>
        tpu.wait_dma2 semaphore(%run_scoped3A_344 : memref<!tpu.dma_semaphore, #tpu.memory_space<semaphore_mem>>) src(%dma_wait3A_356 : memref<16x128xi32, #tpu.memory_space<hbm>>) dst(%arg9 : memref<16x128xi32, #tpu.memory_space<vmem>>)
        tpu.yield
      }) : () -> ()
      %dma_start3A_104 = arith.constant 0 : i32
      %dma_start3A_105 = arith.constant 0 : i32
      %dma_start3A_106 = tpu.memref_slice %arg8[%dma_start3A_104, %dma_start3A_105] : memref<16x128xi32, #tpu.memory_space<vmem>> -> memref<1x128xi32, #tpu.memory_space<vmem>>
      %dma_start3A_107 = tpu.memref_squeeze %dma_start3A_106 : memref<1x128xi32, #tpu.memory_space<vmem>> -> memref<128xi32, #tpu.memory_space<vmem>>
      %dma_start3A_108 = arith.constant 0 : i32
      %dma_start3A_109 = arith.constant 0 : i32
      %dma_start3A_110 = tpu.memref_slice %arg4[%dma_start3A_108, %dma_start3A_109] : memref<10000x128xf32, #tpu.memory_space<hbm>> -> memref<10000x128xf32, #tpu.memory_space<hbm>>
      tpu.enqueue_indirect_dma source(%dma_start3A_110 : memref<10000x128xf32, #tpu.memory_space<hbm>>) target(%arg11 : memref<128x128xf32, #tpu.memory_space<vmem>>) offsets(%dma_start3A_107 : memref<128xi32, #tpu.memory_space<vmem>>) semaphore(%arg14 : memref<!tpu.dma_semaphore, #tpu.memory_space<semaphore_mem>>)
      %dma_wait3A_111 = arith.constant 0 : i32
      %dma_wait3A_112 = arith.constant 0 : i32
      %dma_wait3A_113 = tpu.memref_slice %arg8[%dma_wait3A_111, %dma_wait3A_112] : memref<16x128xi32, #tpu.memory_space<vmem>> -> memref<1x128xi32, #tpu.memory_space<vmem>>
      %dma_wait3A_114 = tpu.memref_squeeze %dma_wait3A_113 : memref<1x128xi32, #tpu.memory_space<vmem>> -> memref<128xi32, #tpu.memory_space<vmem>>
      %dma_wait3A_115 = arith.constant 0 : i32
      %dma_wait3A_116 = arith.constant 0 : i32
      %dma_wait3A_117 = tpu.memref_slice %arg4[%dma_wait3A_115, %dma_wait3A_116] : memref<10000x128xf32, #tpu.memory_space<hbm>> -> memref<10000x128xf32, #tpu.memory_space<hbm>>
      tpu.wait_indirect_dma semaphore(%arg14 : memref<!tpu.dma_semaphore, #tpu.memory_space<semaphore_mem>>) src(%dma_wait3A_117 : memref<10000x128xf32, #tpu.memory_space<hbm>>) dst(%arg11 : memref<128x128xf32, #tpu.memory_space<vmem>>)
      %dma_start3A_118 = arith.constant 1 : i32
      %dma_start3A_119 = arith.constant 0 : i32
      %dma_start3A_120 = tpu.memref_slice %arg8[%dma_start3A_118, %dma_start3A_119] : memref<16x128xi32, #tpu.memory_space<vmem>> -> memref<1x128xi32, #tpu.memory_space<vmem>>
      %dma_start3A_121 = tpu.memref_squeeze %dma_start3A_120 : memref<1x128xi32, #tpu.memory_space<vmem>> -> memref<128xi32, #tpu.memory_space<vmem>>
      %dma_start3A_122 = arith.constant 0 : i32
      %dma_start3A_123 = arith.constant 0 : i32
      %dma_start3A_124 = tpu.memref_slice %arg4[%dma_start3A_122, %dma_start3A_123] : memref<10000x128xf32, #tpu.memory_space<hbm>> -> memref<10000x128xf32, #tpu.memory_space<hbm>>
      tpu.enqueue_indirect_dma source(%dma_start3A_124 : memref<10000x128xf32, #tpu.memory_space<hbm>>) target(%arg12 : memref<128x128xf32, #tpu.memory_space<vmem>>) offsets(%dma_start3A_121 : memref<128xi32, #tpu.memory_space<vmem>>) semaphore(%arg15 : memref<!tpu.dma_semaphore, #tpu.memory_space<semaphore_mem>>)
      %run_scoped3A_125 = arith.constant 0 : i32
      "tpu.region"() ({
        %run_scoped3A_344 = tpu.sem_alloc : memref<!tpu.dma_semaphore, #tpu.memory_space<semaphore_mem>>
        %dma_start3A_345 = arith.constant 0 : i32
        %dma_start3A_346 = tpu.memref_slice %arg9[%run_scoped3A_125, %dma_start3A_345] : memref<16x128xi32, #tpu.memory_space<vmem>> -> memref<1x128xi32, #tpu.memory_space<vmem>>
        %dma_start3A_347 = tpu.memref_squeeze %dma_start3A_346 : memref<1x128xi32, #tpu.memory_space<vmem>> -> memref<128xi32, #tpu.memory_space<vmem>>
        %dma_start3A_348 = arith.constant 0 : i32
        %dma_start3A_349 = arith.constant 0 : i32
        %dma_start3A_350 = tpu.memref_slice %arg13[%dma_start3A_348, %dma_start3A_349] : memref<10240x128xf32, #tpu.memory_space<vmem_shared>> -> memref<10240x128xf32, #tpu.memory_space<vmem_shared>>
        tpu.enqueue_indirect_dma source(%arg11 : memref<128x128xf32, #tpu.memory_space<vmem>>) target(%dma_start3A_350 : memref<10240x128xf32, #tpu.memory_space<vmem_shared>>) offsets(%dma_start3A_347 : memref<128xi32, #tpu.memory_space<vmem>>) semaphore(%run_scoped3A_344 : memref<!tpu.dma_semaphore, #tpu.memory_space<semaphore_mem>>) {add = true}
        %dma_wait3A_351 = arith.constant 0 : i32
        %dma_wait3A_352 = tpu.memref_slice %arg9[%run_scoped3A_125, %dma_wait3A_351] : memref<16x128xi32, #tpu.memory_space<vmem>> -> memref<1x128xi32, #tpu.memory_space<vmem>>
        %dma_wait3A_353 = tpu.memref_squeeze %dma_wait3A_352 : memref<1x128xi32, #tpu.memory_space<vmem>> -> memref<128xi32, #tpu.memory_space<vmem>>
        %dma_wait3A_354 = arith.constant 0 : i32
        %dma_wait3A_355 = arith.constant 0 : i32
        %dma_wait3A_356 = tpu.memref_slice %arg13[%dma_wait3A_354, %dma_wait3A_355] : memref<10240x128xf32, #tpu.memory_space<vmem_shared>> -> memref<10240x128xf32, #tpu.memory_space<vmem_shared>>
        tpu.wait_indirect_dma semaphore(%run_scoped3A_344 : memref<!tpu.dma_semaphore, #tpu.memory_space<semaphore_mem>>) src(%arg11 : memref<128x128xf32, #tpu.memory_space<vmem>>) dst(%dma_wait3A_356 : memref<10240x128xf32, #tpu.memory_space<vmem_shared>>)
        tpu.yield
      }) : () -> ()
      %dma_wait3A_126 = arith.constant 1 : i32
      %dma_wait3A_127 = arith.constant 0 : i32
      %dma_wait3A_128 = tpu.memref_slice %arg8[%dma_wait3A_126, %dma_wait3A_127] : memref<16x128xi32, #tpu.memory_space<vmem>> -> memref<1x128xi32, #tpu.memory_space<vmem>>
      %dma_wait3A_129 = tpu.memref_squeeze %dma_wait3A_128 : memref<1x128xi32, #tpu.memory_space<vmem>> -> memref<128xi32, #tpu.memory_space<vmem>>
      %dma_wait3A_130 = arith.constant 0 : i32
      %dma_wait3A_131 = arith.constant 0 : i32
      %dma_wait3A_132 = tpu.memref_slice %arg4[%dma_wait3A_130, %dma_wait3A_131] : memref<10000x128xf32, #tpu.memory_space<hbm>> -> memref<10000x128xf32, #tpu.memory_space<hbm>>
      tpu.wait_indirect_dma semaphore(%arg15 : memref<!tpu.dma_semaphore, #tpu.memory_space<semaphore_mem>>) src(%dma_wait3A_132 : memref<10000x128xf32, #tpu.memory_space<hbm>>) dst(%arg12 : memref<128x128xf32, #tpu.memory_space<vmem>>)
      %dma_start3A_133 = arith.constant 2 : i32
      %dma_start3A_134 = arith.constant 0 : i32
      %dma_start3A_135 = tpu.memref_slice %arg8[%dma_start3A_133, %dma_start3A_134] : memref<16x128xi32, #tpu.memory_space<vmem>> -> memref<1x128xi32, #tpu.memory_space<vmem>>
      %dma_start3A_136 = tpu.memref_squeeze %dma_start3A_135 : memref<1x128xi32, #tpu.memory_space<vmem>> -> memref<128xi32, #tpu.memory_space<vmem>>
      %dma_start3A_137 = arith.constant 0 : i32
      %dma_start3A_138 = arith.constant 0 : i32
      %dma_start3A_139 = tpu.memref_slice %arg4[%dma_start3A_137, %dma_start3A_138] : memref<10000x128xf32, #tpu.memory_space<hbm>> -> memref<10000x128xf32, #tpu.memory_space<hbm>>
      tpu.enqueue_indirect_dma source(%dma_start3A_139 : memref<10000x128xf32, #tpu.memory_space<hbm>>) target(%arg11 : memref<128x128xf32, #tpu.memory_space<vmem>>) offsets(%dma_start3A_136 : memref<128xi32, #tpu.memory_space<vmem>>) semaphore(%arg14 : memref<!tpu.dma_semaphore, #tpu.memory_space<semaphore_mem>>)
      %run_scoped3A_140 = arith.constant 1 : i32
      "tpu.region"() ({
        %run_scoped3A_344 = tpu.sem_alloc : memref<!tpu.dma_semaphore, #tpu.memory_space<semaphore_mem>>
        %dma_start3A_345 = arith.constant 0 : i32
        %dma_start3A_346 = tpu.memref_slice %arg9[%run_scoped3A_140, %dma_start3A_345] : memref<16x128xi32, #tpu.memory_space<vmem>> -> memref<1x128xi32, #tpu.memory_space<vmem>>
        %dma_start3A_347 = tpu.memref_squeeze %dma_start3A_346 : memref<1x128xi32, #tpu.memory_space<vmem>> -> memref<128xi32, #tpu.memory_space<vmem>>
        %dma_start3A_348 = arith.constant 0 : i32
        %dma_start3A_349 = arith.constant 0 : i32
        %dma_start3A_350 = tpu.memref_slice %arg13[%dma_start3A_348, %dma_start3A_349] : memref<10240x128xf32, #tpu.memory_space<vmem_shared>> -> memref<10240x128xf32, #tpu.memory_space<vmem_shared>>
        tpu.enqueue_indirect_dma source(%arg12 : memref<128x128xf32, #tpu.memory_space<vmem>>) target(%dma_start3A_350 : memref<10240x128xf32, #tpu.memory_space<vmem_shared>>) offsets(%dma_start3A_347 : memref<128xi32, #tpu.memory_space<vmem>>) semaphore(%run_scoped3A_344 : memref<!tpu.dma_semaphore, #tpu.memory_space<semaphore_mem>>) {add = true}
        %dma_wait3A_351 = arith.constant 0 : i32
        %dma_wait3A_352 = tpu.memref_slice %arg9[%run_scoped3A_140, %dma_wait3A_351] : memref<16x128xi32, #tpu.memory_space<vmem>> -> memref<1x128xi32, #tpu.memory_space<vmem>>
        %dma_wait3A_353 = tpu.memref_squeeze %dma_wait3A_352 : memref<1x128xi32, #tpu.memory_space<vmem>> -> memref<128xi32, #tpu.memory_space<vmem>>
        %dma_wait3A_354 = arith.constant 0 : i32
        %dma_wait3A_355 = arith.constant 0 : i32
        %dma_wait3A_356 = tpu.memref_slice %arg13[%dma_wait3A_354, %dma_wait3A_355] : memref<10240x128xf32, #tpu.memory_space<vmem_shared>> -> memref<10240x128xf32, #tpu.memory_space<vmem_shared>>
        tpu.wait_indirect_dma semaphore(%run_scoped3A_344 : memref<!tpu.dma_semaphore, #tpu.memory_space<semaphore_mem>>) src(%arg12 : memref<128x128xf32, #tpu.memory_space<vmem>>) dst(%dma_wait3A_356 : memref<10240x128xf32, #tpu.memory_space<vmem_shared>>)
        tpu.yield
      }) : () -> ()
      %dma_wait3A_141 = arith.constant 2 : i32
      %dma_wait3A_142 = arith.constant 0 : i32
      %dma_wait3A_143 = tpu.memref_slice %arg8[%dma_wait3A_141, %dma_wait3A_142] : memref<16x128xi32, #tpu.memory_space<vmem>> -> memref<1x128xi32, #tpu.memory_space<vmem>>
      %dma_wait3A_144 = tpu.memref_squeeze %dma_wait3A_143 : memref<1x128xi32, #tpu.memory_space<vmem>> -> memref<128xi32, #tpu.memory_space<vmem>>
      %dma_wait3A_145 = arith.constant 0 : i32
      %dma_wait3A_146 = arith.constant 0 : i32
      %dma_wait3A_147 = tpu.memref_slice %arg4[%dma_wait3A_145, %dma_wait3A_146] : memref<10000x128xf32, #tpu.memory_space<hbm>> -> memref<10000x128xf32, #tpu.memory_space<hbm>>
      tpu.wait_indirect_dma semaphore(%arg14 : memref<!tpu.dma_semaphore, #tpu.memory_space<semaphore_mem>>) src(%dma_wait3A_147 : memref<10000x128xf32, #tpu.memory_space<hbm>>) dst(%arg11 : memref<128x128xf32, #tpu.memory_space<vmem>>)
      %dma_start3A_148 = arith.constant 3 : i32
      %dma_start3A_149 = arith.constant 0 : i32
      %dma_start3A_150 = tpu.memref_slice %arg8[%dma_start3A_148, %dma_start3A_149] : memref<16x128xi32, #tpu.memory_space<vmem>> -> memref<1x128xi32, #tpu.memory_space<vmem>>
      %dma_start3A_151 = tpu.memref_squeeze %dma_start3A_150 : memref<1x128xi32, #tpu.memory_space<vmem>> -> memref<128xi32, #tpu.memory_space<vmem>>
      %dma_start3A_152 = arith.constant 0 : i32
      %dma_start3A_153 = arith.constant 0 : i32
      %dma_start3A_154 = tpu.memref_slice %arg4[%dma_start3A_152, %dma_start3A_153] : memref<10000x128xf32, #tpu.memory_space<hbm>> -> memref<10000x128xf32, #tpu.memory_space<hbm>>
      tpu.enqueue_indirect_dma source(%dma_start3A_154 : memref<10000x128xf32, #tpu.memory_space<hbm>>) target(%arg12 : memref<128x128xf32, #tpu.memory_space<vmem>>) offsets(%dma_start3A_151 : memref<128xi32, #tpu.memory_space<vmem>>) semaphore(%arg15 : memref<!tpu.dma_semaphore, #tpu.memory_space<semaphore_mem>>)
      %run_scoped3A_155 = arith.constant 2 : i32
      "tpu.region"() ({
        %run_scoped3A_344 = tpu.sem_alloc : memref<!tpu.dma_semaphore, #tpu.memory_space<semaphore_mem>>
        %dma_start3A_345 = arith.constant 0 : i32
        %dma_start3A_346 = tpu.memref_slice %arg9[%run_scoped3A_155, %dma_start3A_345] : memref<16x128xi32, #tpu.memory_space<vmem>> -> memref<1x128xi32, #tpu.memory_space<vmem>>
        %dma_start3A_347 = tpu.memref_squeeze %dma_start3A_346 : memref<1x128xi32, #tpu.memory_space<vmem>> -> memref<128xi32, #tpu.memory_space<vmem>>
        %dma_start3A_348 = arith.constant 0 : i32
        %dma_start3A_349 = arith.constant 0 : i32
        %dma_start3A_350 = tpu.memref_slice %arg13[%dma_start3A_348, %dma_start3A_349] : memref<10240x128xf32, #tpu.memory_space<vmem_shared>> -> memref<10240x128xf32, #tpu.memory_space<vmem_shared>>
        tpu.enqueue_indirect_dma source(%arg11 : memref<128x128xf32, #tpu.memory_space<vmem>>) target(%dma_start3A_350 : memref<10240x128xf32, #tpu.memory_space<vmem_shared>>) offsets(%dma_start3A_347 : memref<128xi32, #tpu.memory_space<vmem>>) semaphore(%run_scoped3A_344 : memref<!tpu.dma_semaphore, #tpu.memory_space<semaphore_mem>>) {add = true}
        %dma_wait3A_351 = arith.constant 0 : i32
        %dma_wait3A_352 = tpu.memref_slice %arg9[%run_scoped3A_155, %dma_wait3A_351] : memref<16x128xi32, #tpu.memory_space<vmem>> -> memref<1x128xi32, #tpu.memory_space<vmem>>
        %dma_wait3A_353 = tpu.memref_squeeze %dma_wait3A_352 : memref<1x128xi32, #tpu.memory_space<vmem>> -> memref<128xi32, #tpu.memory_space<vmem>>
        %dma_wait3A_354 = arith.constant 0 : i32
        %dma_wait3A_355 = arith.constant 0 : i32
        %dma_wait3A_356 = tpu.memref_slice %arg13[%dma_wait3A_354, %dma_wait3A_355] : memref<10240x128xf32, #tpu.memory_space<vmem_shared>> -> memref<10240x128xf32, #tpu.memory_space<vmem_shared>>
        tpu.wait_indirect_dma semaphore(%run_scoped3A_344 : memref<!tpu.dma_semaphore, #tpu.memory_space<semaphore_mem>>) src(%arg11 : memref<128x128xf32, #tpu.memory_space<vmem>>) dst(%dma_wait3A_356 : memref<10240x128xf32, #tpu.memory_space<vmem_shared>>)
        tpu.yield
      }) : () -> ()
      %dma_wait3A_156 = arith.constant 3 : i32
      %dma_wait3A_157 = arith.constant 0 : i32
      %dma_wait3A_158 = tpu.memref_slice %arg8[%dma_wait3A_156, %dma_wait3A_157] : memref<16x128xi32, #tpu.memory_space<vmem>> -> memref<1x128xi32, #tpu.memory_space<vmem>>
      %dma_wait3A_159 = tpu.memref_squeeze %dma_wait3A_158 : memref<1x128xi32, #tpu.memory_space<vmem>> -> memref<128xi32, #tpu.memory_space<vmem>>
      %dma_wait3A_160 = arith.constant 0 : i32
      %dma_wait3A_161 = arith.constant 0 : i32
      %dma_wait3A_162 = tpu.memref_slice %arg4[%dma_wait3A_160, %dma_wait3A_161] : memref<10000x128xf32, #tpu.memory_space<hbm>> -> memref<10000x128xf32, #tpu.memory_space<hbm>>
      tpu.wait_indirect_dma semaphore(%arg15 : memref<!tpu.dma_semaphore, #tpu.memory_space<semaphore_mem>>) src(%dma_wait3A_162 : memref<10000x128xf32, #tpu.memory_space<hbm>>) dst(%arg12 : memref<128x128xf32, #tpu.memory_space<vmem>>)
      %dma_start3A_163 = arith.constant 4 : i32
      %dma_start3A_164 = arith.constant 0 : i32
      %dma_start3A_165 = tpu.memref_slice %arg8[%dma_start3A_163, %dma_start3A_164] : memref<16x128xi32, #tpu.memory_space<vmem>> -> memref<1x128xi32, #tpu.memory_space<vmem>>
      %dma_start3A_166 = tpu.memref_squeeze %dma_start3A_165 : memref<1x128xi32, #tpu.memory_space<vmem>> -> memref<128xi32, #tpu.memory_space<vmem>>
      %dma_start3A_167 = arith.constant 0 : i32
      %dma_start3A_168 = arith.constant 0 : i32
      %dma_start3A_169 = tpu.memref_slice %arg4[%dma_start3A_167, %dma_start3A_168] : memref<10000x128xf32, #tpu.memory_space<hbm>> -> memref<10000x128xf32, #tpu.memory_space<hbm>>
      tpu.enqueue_indirect_dma source(%dma_start3A_169 : memref<10000x128xf32, #tpu.memory_space<hbm>>) target(%arg11 : memref<128x128xf32, #tpu.memory_space<vmem>>) offsets(%dma_start3A_166 : memref<128xi32, #tpu.memory_space<vmem>>) semaphore(%arg14 : memref<!tpu.dma_semaphore, #tpu.memory_space<semaphore_mem>>)
      %run_scoped3A_170 = arith.constant 3 : i32
      "tpu.region"() ({
        %run_scoped3A_344 = tpu.sem_alloc : memref<!tpu.dma_semaphore, #tpu.memory_space<semaphore_mem>>
        %dma_start3A_345 = arith.constant 0 : i32
        %dma_start3A_346 = tpu.memref_slice %arg9[%run_scoped3A_170, %dma_start3A_345] : memref<16x128xi32, #tpu.memory_space<vmem>> -> memref<1x128xi32, #tpu.memory_space<vmem>>
        %dma_start3A_347 = tpu.memref_squeeze %dma_start3A_346 : memref<1x128xi32, #tpu.memory_space<vmem>> -> memref<128xi32, #tpu.memory_space<vmem>>
        %dma_start3A_348 = arith.constant 0 : i32
        %dma_start3A_349 = arith.constant 0 : i32
        %dma_start3A_350 = tpu.memref_slice %arg13[%dma_start3A_348, %dma_start3A_349] : memref<10240x128xf32, #tpu.memory_space<vmem_shared>> -> memref<10240x128xf32, #tpu.memory_space<vmem_shared>>
        tpu.enqueue_indirect_dma source(%arg12 : memref<128x128xf32, #tpu.memory_space<vmem>>) target(%dma_start3A_350 : memref<10240x128xf32, #tpu.memory_space<vmem_shared>>) offsets(%dma_start3A_347 : memref<128xi32, #tpu.memory_space<vmem>>) semaphore(%run_scoped3A_344 : memref<!tpu.dma_semaphore, #tpu.memory_space<semaphore_mem>>) {add = true}
        %dma_wait3A_351 = arith.constant 0 : i32
        %dma_wait3A_352 = tpu.memref_slice %arg9[%run_scoped3A_170, %dma_wait3A_351] : memref<16x128xi32, #tpu.memory_space<vmem>> -> memref<1x128xi32, #tpu.memory_space<vmem>>
        %dma_wait3A_353 = tpu.memref_squeeze %dma_wait3A_352 : memref<1x128xi32, #tpu.memory_space<vmem>> -> memref<128xi32, #tpu.memory_space<vmem>>
        %dma_wait3A_354 = arith.constant 0 : i32
        %dma_wait3A_355 = arith.constant 0 : i32
        %dma_wait3A_356 = tpu.memref_slice %arg13[%dma_wait3A_354, %dma_wait3A_355] : memref<10240x128xf32, #tpu.memory_space<vmem_shared>> -> memref<10240x128xf32, #tpu.memory_space<vmem_shared>>
        tpu.wait_indirect_dma semaphore(%run_scoped3A_344 : memref<!tpu.dma_semaphore, #tpu.memory_space<semaphore_mem>>) src(%arg12 : memref<128x128xf32, #tpu.memory_space<vmem>>) dst(%dma_wait3A_356 : memref<10240x128xf32, #tpu.memory_space<vmem_shared>>)
        tpu.yield
      }) : () -> ()
      %dma_wait3A_171 = arith.constant 4 : i32
      %dma_wait3A_172 = arith.constant 0 : i32
      %dma_wait3A_173 = tpu.memref_slice %arg8[%dma_wait3A_171, %dma_wait3A_172] : memref<16x128xi32, #tpu.memory_space<vmem>> -> memref<1x128xi32, #tpu.memory_space<vmem>>
      %dma_wait3A_174 = tpu.memref_squeeze %dma_wait3A_173 : memref<1x128xi32, #tpu.memory_space<vmem>> -> memref<128xi32, #tpu.memory_space<vmem>>
      %dma_wait3A_175 = arith.constant 0 : i32
      %dma_wait3A_176 = arith.constant 0 : i32
      %dma_wait3A_177 = tpu.memref_slice %arg4[%dma_wait3A_175, %dma_wait3A_176] : memref<10000x128xf32, #tpu.memory_space<hbm>> -> memref<10000x128xf32, #tpu.memory_space<hbm>>
      tpu.wait_indirect_dma semaphore(%arg14 : memref<!tpu.dma_semaphore, #tpu.memory_space<semaphore_mem>>) src(%dma_wait3A_177 : memref<10000x128xf32, #tpu.memory_space<hbm>>) dst(%arg11 : memref<128x128xf32, #tpu.memory_space<vmem>>)
      %dma_start3A_178 = arith.constant 5 : i32
      %dma_start3A_179 = arith.constant 0 : i32
      %dma_start3A_180 = tpu.memref_slice %arg8[%dma_start3A_178, %dma_start3A_179] : memref<16x128xi32, #tpu.memory_space<vmem>> -> memref<1x128xi32, #tpu.memory_space<vmem>>
      %dma_start3A_181 = tpu.memref_squeeze %dma_start3A_180 : memref<1x128xi32, #tpu.memory_space<vmem>> -> memref<128xi32, #tpu.memory_space<vmem>>
      %dma_start3A_182 = arith.constant 0 : i32
      %dma_start3A_183 = arith.constant 0 : i32
      %dma_start3A_184 = tpu.memref_slice %arg4[%dma_start3A_182, %dma_start3A_183] : memref<10000x128xf32, #tpu.memory_space<hbm>> -> memref<10000x128xf32, #tpu.memory_space<hbm>>
      tpu.enqueue_indirect_dma source(%dma_start3A_184 : memref<10000x128xf32, #tpu.memory_space<hbm>>) target(%arg12 : memref<128x128xf32, #tpu.memory_space<vmem>>) offsets(%dma_start3A_181 : memref<128xi32, #tpu.memory_space<vmem>>) semaphore(%arg15 : memref<!tpu.dma_semaphore, #tpu.memory_space<semaphore_mem>>)
      %run_scoped3A_185 = arith.constant 4 : i32
      "tpu.region"() ({
        %run_scoped3A_344 = tpu.sem_alloc : memref<!tpu.dma_semaphore, #tpu.memory_space<semaphore_mem>>
        %dma_start3A_345 = arith.constant 0 : i32
        %dma_start3A_346 = tpu.memref_slice %arg9[%run_scoped3A_185, %dma_start3A_345] : memref<16x128xi32, #tpu.memory_space<vmem>> -> memref<1x128xi32, #tpu.memory_space<vmem>>
        %dma_start3A_347 = tpu.memref_squeeze %dma_start3A_346 : memref<1x128xi32, #tpu.memory_space<vmem>> -> memref<128xi32, #tpu.memory_space<vmem>>
        %dma_start3A_348 = arith.constant 0 : i32
        %dma_start3A_349 = arith.constant 0 : i32
        %dma_start3A_350 = tpu.memref_slice %arg13[%dma_start3A_348, %dma_start3A_349] : memref<10240x128xf32, #tpu.memory_space<vmem_shared>> -> memref<10240x128xf32, #tpu.memory_space<vmem_shared>>
        tpu.enqueue_indirect_dma source(%arg11 : memref<128x128xf32, #tpu.memory_space<vmem>>) target(%dma_start3A_350 : memref<10240x128xf32, #tpu.memory_space<vmem_shared>>) offsets(%dma_start3A_347 : memref<128xi32, #tpu.memory_space<vmem>>) semaphore(%run_scoped3A_344 : memref<!tpu.dma_semaphore, #tpu.memory_space<semaphore_mem>>) {add = true}
        %dma_wait3A_351 = arith.constant 0 : i32
        %dma_wait3A_352 = tpu.memref_slice %arg9[%run_scoped3A_185, %dma_wait3A_351] : memref<16x128xi32, #tpu.memory_space<vmem>> -> memref<1x128xi32, #tpu.memory_space<vmem>>
        %dma_wait3A_353 = tpu.memref_squeeze %dma_wait3A_352 : memref<1x128xi32, #tpu.memory_space<vmem>> -> memref<128xi32, #tpu.memory_space<vmem>>
        %dma_wait3A_354 = arith.constant 0 : i32
        %dma_wait3A_355 = arith.constant 0 : i32
        %dma_wait3A_356 = tpu.memref_slice %arg13[%dma_wait3A_354, %dma_wait3A_355] : memref<10240x128xf32, #tpu.memory_space<vmem_shared>> -> memref<10240x128xf32, #tpu.memory_space<vmem_shared>>
        tpu.wait_indirect_dma semaphore(%run_scoped3A_344 : memref<!tpu.dma_semaphore, #tpu.memory_space<semaphore_mem>>) src(%arg11 : memref<128x128xf32, #tpu.memory_space<vmem>>) dst(%dma_wait3A_356 : memref<10240x128xf32, #tpu.memory_space<vmem_shared>>)
        tpu.yield
      }) : () -> ()
      %dma_wait3A_186 = arith.constant 5 : i32
      %dma_wait3A_187 = arith.constant 0 : i32
      %dma_wait3A_188 = tpu.memref_slice %arg8[%dma_wait3A_186, %dma_wait3A_187] : memref<16x128xi32, #tpu.memory_space<vmem>> -> memref<1x128xi32, #tpu.memory_space<vmem>>
      %dma_wait3A_189 = tpu.memref_squeeze %dma_wait3A_188 : memref<1x128xi32, #tpu.memory_space<vmem>> -> memref<128xi32, #tpu.memory_space<vmem>>
      %dma_wait3A_190 = arith.constant 0 : i32
      %dma_wait3A_191 = arith.constant 0 : i32
      %dma_wait3A_192 = tpu.memref_slice %arg4[%dma_wait3A_190, %dma_wait3A_191] : memref<10000x128xf32, #tpu.memory_space<hbm>> -> memref<10000x128xf32, #tpu.memory_space<hbm>>
      tpu.wait_indirect_dma semaphore(%arg15 : memref<!tpu.dma_semaphore, #tpu.memory_space<semaphore_mem>>) src(%dma_wait3A_192 : memref<10000x128xf32, #tpu.memory_space<hbm>>) dst(%arg12 : memref<128x128xf32, #tpu.memory_space<vmem>>)
      %dma_start3A_193 = arith.constant 6 : i32
      %dma_start3A_194 = arith.constant 0 : i32
      %dma_start3A_195 = tpu.memref_slice %arg8[%dma_start3A_193, %dma_start3A_194] : memref<16x128xi32, #tpu.memory_space<vmem>> -> memref<1x128xi32, #tpu.memory_space<vmem>>
      %dma_start3A_196 = tpu.memref_squeeze %dma_start3A_195 : memref<1x128xi32, #tpu.memory_space<vmem>> -> memref<128xi32, #tpu.memory_space<vmem>>
      %dma_start3A_197 = arith.constant 0 : i32
      %dma_start3A_198 = arith.constant 0 : i32
      %dma_start3A_199 = tpu.memref_slice %arg4[%dma_start3A_197, %dma_start3A_198] : memref<10000x128xf32, #tpu.memory_space<hbm>> -> memref<10000x128xf32, #tpu.memory_space<hbm>>
      tpu.enqueue_indirect_dma source(%dma_start3A_199 : memref<10000x128xf32, #tpu.memory_space<hbm>>) target(%arg11 : memref<128x128xf32, #tpu.memory_space<vmem>>) offsets(%dma_start3A_196 : memref<128xi32, #tpu.memory_space<vmem>>) semaphore(%arg14 : memref<!tpu.dma_semaphore, #tpu.memory_space<semaphore_mem>>)
      %run_scoped3A_200 = arith.constant 5 : i32
      "tpu.region"() ({
        %run_scoped3A_344 = tpu.sem_alloc : memref<!tpu.dma_semaphore, #tpu.memory_space<semaphore_mem>>
        %dma_start3A_345 = arith.constant 0 : i32
        %dma_start3A_346 = tpu.memref_slice %arg9[%run_scoped3A_200, %dma_start3A_345] : memref<16x128xi32, #tpu.memory_space<vmem>> -> memref<1x128xi32, #tpu.memory_space<vmem>>
        %dma_start3A_347 = tpu.memref_squeeze %dma_start3A_346 : memref<1x128xi32, #tpu.memory_space<vmem>> -> memref<128xi32, #tpu.memory_space<vmem>>
        %dma_start3A_348 = arith.constant 0 : i32
        %dma_start3A_349 = arith.constant 0 : i32
        %dma_start3A_350 = tpu.memref_slice %arg13[%dma_start3A_348, %dma_start3A_349] : memref<10240x128xf32, #tpu.memory_space<vmem_shared>> -> memref<10240x128xf32, #tpu.memory_space<vmem_shared>>
        tpu.enqueue_indirect_dma source(%arg12 : memref<128x128xf32, #tpu.memory_space<vmem>>) target(%dma_start3A_350 : memref<10240x128xf32, #tpu.memory_space<vmem_shared>>) offsets(%dma_start3A_347 : memref<128xi32, #tpu.memory_space<vmem>>) semaphore(%run_scoped3A_344 : memref<!tpu.dma_semaphore, #tpu.memory_space<semaphore_mem>>) {add = true}
        %dma_wait3A_351 = arith.constant 0 : i32
        %dma_wait3A_352 = tpu.memref_slice %arg9[%run_scoped3A_200, %dma_wait3A_351] : memref<16x128xi32, #tpu.memory_space<vmem>> -> memref<1x128xi32, #tpu.memory_space<vmem>>
        %dma_wait3A_353 = tpu.memref_squeeze %dma_wait3A_352 : memref<1x128xi32, #tpu.memory_space<vmem>> -> memref<128xi32, #tpu.memory_space<vmem>>
        %dma_wait3A_354 = arith.constant 0 : i32
        %dma_wait3A_355 = arith.constant 0 : i32
        %dma_wait3A_356 = tpu.memref_slice %arg13[%dma_wait3A_354, %dma_wait3A_355] : memref<10240x128xf32, #tpu.memory_space<vmem_shared>> -> memref<10240x128xf32, #tpu.memory_space<vmem_shared>>
        tpu.wait_indirect_dma semaphore(%run_scoped3A_344 : memref<!tpu.dma_semaphore, #tpu.memory_space<semaphore_mem>>) src(%arg12 : memref<128x128xf32, #tpu.memory_space<vmem>>) dst(%dma_wait3A_356 : memref<10240x128xf32, #tpu.memory_space<vmem_shared>>)
        tpu.yield
      }) : () -> ()
      %dma_wait3A_201 = arith.constant 6 : i32
      %dma_wait3A_202 = arith.constant 0 : i32
      %dma_wait3A_203 = tpu.memref_slice %arg8[%dma_wait3A_201, %dma_wait3A_202] : memref<16x128xi32, #tpu.memory_space<vmem>> -> memref<1x128xi32, #tpu.memory_space<vmem>>
      %dma_wait3A_204 = tpu.memref_squeeze %dma_wait3A_203 : memref<1x128xi32, #tpu.memory_space<vmem>> -> memref<128xi32, #tpu.memory_space<vmem>>
      %dma_wait3A_205 = arith.constant 0 : i32
      %dma_wait3A_206 = arith.constant 0 : i32
      %dma_wait3A_207 = tpu.memref_slice %arg4[%dma_wait3A_205, %dma_wait3A_206] : memref<10000x128xf32, #tpu.memory_space<hbm>> -> memref<10000x128xf32, #tpu.memory_space<hbm>>
      tpu.wait_indirect_dma semaphore(%arg14 : memref<!tpu.dma_semaphore, #tpu.memory_space<semaphore_mem>>) src(%dma_wait3A_207 : memref<10000x128xf32, #tpu.memory_space<hbm>>) dst(%arg11 : memref<128x128xf32, #tpu.memory_space<vmem>>)
      %dma_start3A_208 = arith.constant 7 : i32
      %dma_start3A_209 = arith.constant 0 : i32
      %dma_start3A_210 = tpu.memref_slice %arg8[%dma_start3A_208, %dma_start3A_209] : memref<16x128xi32, #tpu.memory_space<vmem>> -> memref<1x128xi32, #tpu.memory_space<vmem>>
      %dma_start3A_211 = tpu.memref_squeeze %dma_start3A_210 : memref<1x128xi32, #tpu.memory_space<vmem>> -> memref<128xi32, #tpu.memory_space<vmem>>
      %dma_start3A_212 = arith.constant 0 : i32
      %dma_start3A_213 = arith.constant 0 : i32
      %dma_start3A_214 = tpu.memref_slice %arg4[%dma_start3A_212, %dma_start3A_213] : memref<10000x128xf32, #tpu.memory_space<hbm>> -> memref<10000x128xf32, #tpu.memory_space<hbm>>
      tpu.enqueue_indirect_dma source(%dma_start3A_214 : memref<10000x128xf32, #tpu.memory_space<hbm>>) target(%arg12 : memref<128x128xf32, #tpu.memory_space<vmem>>) offsets(%dma_start3A_211 : memref<128xi32, #tpu.memory_space<vmem>>) semaphore(%arg15 : memref<!tpu.dma_semaphore, #tpu.memory_space<semaphore_mem>>)
      %run_scoped3A_215 = arith.constant 6 : i32
      "tpu.region"() ({
        %run_scoped3A_344 = tpu.sem_alloc : memref<!tpu.dma_semaphore, #tpu.memory_space<semaphore_mem>>
        %dma_start3A_345 = arith.constant 0 : i32
        %dma_start3A_346 = tpu.memref_slice %arg9[%run_scoped3A_215, %dma_start3A_345] : memref<16x128xi32, #tpu.memory_space<vmem>> -> memref<1x128xi32, #tpu.memory_space<vmem>>
        %dma_start3A_347 = tpu.memref_squeeze %dma_start3A_346 : memref<1x128xi32, #tpu.memory_space<vmem>> -> memref<128xi32, #tpu.memory_space<vmem>>
        %dma_start3A_348 = arith.constant 0 : i32
        %dma_start3A_349 = arith.constant 0 : i32
        %dma_start3A_350 = tpu.memref_slice %arg13[%dma_start3A_348, %dma_start3A_349] : memref<10240x128xf32, #tpu.memory_space<vmem_shared>> -> memref<10240x128xf32, #tpu.memory_space<vmem_shared>>
        tpu.enqueue_indirect_dma source(%arg11 : memref<128x128xf32, #tpu.memory_space<vmem>>) target(%dma_start3A_350 : memref<10240x128xf32, #tpu.memory_space<vmem_shared>>) offsets(%dma_start3A_347 : memref<128xi32, #tpu.memory_space<vmem>>) semaphore(%run_scoped3A_344 : memref<!tpu.dma_semaphore, #tpu.memory_space<semaphore_mem>>) {add = true}
        %dma_wait3A_351 = arith.constant 0 : i32
        %dma_wait3A_352 = tpu.memref_slice %arg9[%run_scoped3A_215, %dma_wait3A_351] : memref<16x128xi32, #tpu.memory_space<vmem>> -> memref<1x128xi32, #tpu.memory_space<vmem>>
        %dma_wait3A_353 = tpu.memref_squeeze %dma_wait3A_352 : memref<1x128xi32, #tpu.memory_space<vmem>> -> memref<128xi32, #tpu.memory_space<vmem>>
        %dma_wait3A_354 = arith.constant 0 : i32
        %dma_wait3A_355 = arith.constant 0 : i32
        %dma_wait3A_356 = tpu.memref_slice %arg13[%dma_wait3A_354, %dma_wait3A_355] : memref<10240x128xf32, #tpu.memory_space<vmem_shared>> -> memref<10240x128xf32, #tpu.memory_space<vmem_shared>>
        tpu.wait_indirect_dma semaphore(%run_scoped3A_344 : memref<!tpu.dma_semaphore, #tpu.memory_space<semaphore_mem>>) src(%arg11 : memref<128x128xf32, #tpu.memory_space<vmem>>) dst(%dma_wait3A_356 : memref<10240x128xf32, #tpu.memory_space<vmem_shared>>)
        tpu.yield
      }) : () -> ()
      %dma_wait3A_216 = arith.constant 7 : i32
      %dma_wait3A_217 = arith.constant 0 : i32
      %dma_wait3A_218 = tpu.memref_slice %arg8[%dma_wait3A_216, %dma_wait3A_217] : memref<16x128xi32, #tpu.memory_space<vmem>> -> memref<1x128xi32, #tpu.memory_space<vmem>>
      %dma_wait3A_219 = tpu.memref_squeeze %dma_wait3A_218 : memref<1x128xi32, #tpu.memory_space<vmem>> -> memref<128xi32, #tpu.memory_space<vmem>>
      %dma_wait3A_220 = arith.constant 0 : i32
      %dma_wait3A_221 = arith.constant 0 : i32
      %dma_wait3A_222 = tpu.memref_slice %arg4[%dma_wait3A_220, %dma_wait3A_221] : memref<10000x128xf32, #tpu.memory_space<hbm>> -> memref<10000x128xf32, #tpu.memory_space<hbm>>
      tpu.wait_indirect_dma semaphore(%arg15 : memref<!tpu.dma_semaphore, #tpu.memory_space<semaphore_mem>>) src(%dma_wait3A_222 : memref<10000x128xf32, #tpu.memory_space<hbm>>) dst(%arg12 : memref<128x128xf32, #tpu.memory_space<vmem>>)
      %dma_start3A_223 = arith.constant 8 : i32
      %dma_start3A_224 = arith.constant 0 : i32
      %dma_start3A_225 = tpu.memref_slice %arg8[%dma_start3A_223, %dma_start3A_224] : memref<16x128xi32, #tpu.memory_space<vmem>> -> memref<1x128xi32, #tpu.memory_space<vmem>>
      %dma_start3A_226 = tpu.memref_squeeze %dma_start3A_225 : memref<1x128xi32, #tpu.memory_space<vmem>> -> memref<128xi32, #tpu.memory_space<vmem>>
      %dma_start3A_227 = arith.constant 0 : i32
      %dma_start3A_228 = arith.constant 0 : i32
      %dma_start3A_229 = tpu.memref_slice %arg4[%dma_start3A_227, %dma_start3A_228] : memref<10000x128xf32, #tpu.memory_space<hbm>> -> memref<10000x128xf32, #tpu.memory_space<hbm>>
      tpu.enqueue_indirect_dma source(%dma_start3A_229 : memref<10000x128xf32, #tpu.memory_space<hbm>>) target(%arg11 : memref<128x128xf32, #tpu.memory_space<vmem>>) offsets(%dma_start3A_226 : memref<128xi32, #tpu.memory_space<vmem>>) semaphore(%arg14 : memref<!tpu.dma_semaphore, #tpu.memory_space<semaphore_mem>>)
      %run_scoped3A_230 = arith.constant 7 : i32
      "tpu.region"() ({
        %run_scoped3A_344 = tpu.sem_alloc : memref<!tpu.dma_semaphore, #tpu.memory_space<semaphore_mem>>
        %dma_start3A_345 = arith.constant 0 : i32
        %dma_start3A_346 = tpu.memref_slice %arg9[%run_scoped3A_230, %dma_start3A_345] : memref<16x128xi32, #tpu.memory_space<vmem>> -> memref<1x128xi32, #tpu.memory_space<vmem>>
        %dma_start3A_347 = tpu.memref_squeeze %dma_start3A_346 : memref<1x128xi32, #tpu.memory_space<vmem>> -> memref<128xi32, #tpu.memory_space<vmem>>
        %dma_start3A_348 = arith.constant 0 : i32
        %dma_start3A_349 = arith.constant 0 : i32
        %dma_start3A_350 = tpu.memref_slice %arg13[%dma_start3A_348, %dma_start3A_349] : memref<10240x128xf32, #tpu.memory_space<vmem_shared>> -> memref<10240x128xf32, #tpu.memory_space<vmem_shared>>
        tpu.enqueue_indirect_dma source(%arg12 : memref<128x128xf32, #tpu.memory_space<vmem>>) target(%dma_start3A_350 : memref<10240x128xf32, #tpu.memory_space<vmem_shared>>) offsets(%dma_start3A_347 : memref<128xi32, #tpu.memory_space<vmem>>) semaphore(%run_scoped3A_344 : memref<!tpu.dma_semaphore, #tpu.memory_space<semaphore_mem>>) {add = true}
        %dma_wait3A_351 = arith.constant 0 : i32
        %dma_wait3A_352 = tpu.memref_slice %arg9[%run_scoped3A_230, %dma_wait3A_351] : memref<16x128xi32, #tpu.memory_space<vmem>> -> memref<1x128xi32, #tpu.memory_space<vmem>>
        %dma_wait3A_353 = tpu.memref_squeeze %dma_wait3A_352 : memref<1x128xi32, #tpu.memory_space<vmem>> -> memref<128xi32, #tpu.memory_space<vmem>>
        %dma_wait3A_354 = arith.constant 0 : i32
        %dma_wait3A_355 = arith.constant 0 : i32
        %dma_wait3A_356 = tpu.memref_slice %arg13[%dma_wait3A_354, %dma_wait3A_355] : memref<10240x128xf32, #tpu.memory_space<vmem_shared>> -> memref<10240x128xf32, #tpu.memory_space<vmem_shared>>
        tpu.wait_indirect_dma semaphore(%run_scoped3A_344 : memref<!tpu.dma_semaphore, #tpu.memory_space<semaphore_mem>>) src(%arg12 : memref<128x128xf32, #tpu.memory_space<vmem>>) dst(%dma_wait3A_356 : memref<10240x128xf32, #tpu.memory_space<vmem_shared>>)
        tpu.yield
      }) : () -> ()
      %dma_wait3A_231 = arith.constant 8 : i32
      %dma_wait3A_232 = arith.constant 0 : i32
      %dma_wait3A_233 = tpu.memref_slice %arg8[%dma_wait3A_231, %dma_wait3A_232] : memref<16x128xi32, #tpu.memory_space<vmem>> -> memref<1x128xi32, #tpu.memory_space<vmem>>
      %dma_wait3A_234 = tpu.memref_squeeze %dma_wait3A_233 : memref<1x128xi32, #tpu.memory_space<vmem>> -> memref<128xi32, #tpu.memory_space<vmem>>
      %dma_wait3A_235 = arith.constant 0 : i32
      %dma_wait3A_236 = arith.constant 0 : i32
      %dma_wait3A_237 = tpu.memref_slice %arg4[%dma_wait3A_235, %dma_wait3A_236] : memref<10000x128xf32, #tpu.memory_space<hbm>> -> memref<10000x128xf32, #tpu.memory_space<hbm>>
      tpu.wait_indirect_dma semaphore(%arg14 : memref<!tpu.dma_semaphore, #tpu.memory_space<semaphore_mem>>) src(%dma_wait3A_237 : memref<10000x128xf32, #tpu.memory_space<hbm>>) dst(%arg11 : memref<128x128xf32, #tpu.memory_space<vmem>>)
      %dma_start3A_238 = arith.constant 9 : i32
      %dma_start3A_239 = arith.constant 0 : i32
      %dma_start3A_240 = tpu.memref_slice %arg8[%dma_start3A_238, %dma_start3A_239] : memref<16x128xi32, #tpu.memory_space<vmem>> -> memref<1x128xi32, #tpu.memory_space<vmem>>
      %dma_start3A_241 = tpu.memref_squeeze %dma_start3A_240 : memref<1x128xi32, #tpu.memory_space<vmem>> -> memref<128xi32, #tpu.memory_space<vmem>>
      %dma_start3A_242 = arith.constant 0 : i32
      %dma_start3A_243 = arith.constant 0 : i32
      %dma_start3A_244 = tpu.memref_slice %arg4[%dma_start3A_242, %dma_start3A_243] : memref<10000x128xf32, #tpu.memory_space<hbm>> -> memref<10000x128xf32, #tpu.memory_space<hbm>>
      tpu.enqueue_indirect_dma source(%dma_start3A_244 : memref<10000x128xf32, #tpu.memory_space<hbm>>) target(%arg12 : memref<128x128xf32, #tpu.memory_space<vmem>>) offsets(%dma_start3A_241 : memref<128xi32, #tpu.memory_space<vmem>>) semaphore(%arg15 : memref<!tpu.dma_semaphore, #tpu.memory_space<semaphore_mem>>)
      %run_scoped3A_245 = arith.constant 8 : i32
      "tpu.region"() ({
        %run_scoped3A_344 = tpu.sem_alloc : memref<!tpu.dma_semaphore, #tpu.memory_space<semaphore_mem>>
        %dma_start3A_345 = arith.constant 0 : i32
        %dma_start3A_346 = tpu.memref_slice %arg9[%run_scoped3A_245, %dma_start3A_345] : memref<16x128xi32, #tpu.memory_space<vmem>> -> memref<1x128xi32, #tpu.memory_space<vmem>>
        %dma_start3A_347 = tpu.memref_squeeze %dma_start3A_346 : memref<1x128xi32, #tpu.memory_space<vmem>> -> memref<128xi32, #tpu.memory_space<vmem>>
        %dma_start3A_348 = arith.constant 0 : i32
        %dma_start3A_349 = arith.constant 0 : i32
        %dma_start3A_350 = tpu.memref_slice %arg13[%dma_start3A_348, %dma_start3A_349] : memref<10240x128xf32, #tpu.memory_space<vmem_shared>> -> memref<10240x128xf32, #tpu.memory_space<vmem_shared>>
        tpu.enqueue_indirect_dma source(%arg11 : memref<128x128xf32, #tpu.memory_space<vmem>>) target(%dma_start3A_350 : memref<10240x128xf32, #tpu.memory_space<vmem_shared>>) offsets(%dma_start3A_347 : memref<128xi32, #tpu.memory_space<vmem>>) semaphore(%run_scoped3A_344 : memref<!tpu.dma_semaphore, #tpu.memory_space<semaphore_mem>>) {add = true}
        %dma_wait3A_351 = arith.constant 0 : i32
        %dma_wait3A_352 = tpu.memref_slice %arg9[%run_scoped3A_245, %dma_wait3A_351] : memref<16x128xi32, #tpu.memory_space<vmem>> -> memref<1x128xi32, #tpu.memory_space<vmem>>
        %dma_wait3A_353 = tpu.memref_squeeze %dma_wait3A_352 : memref<1x128xi32, #tpu.memory_space<vmem>> -> memref<128xi32, #tpu.memory_space<vmem>>
        %dma_wait3A_354 = arith.constant 0 : i32
        %dma_wait3A_355 = arith.constant 0 : i32
        %dma_wait3A_356 = tpu.memref_slice %arg13[%dma_wait3A_354, %dma_wait3A_355] : memref<10240x128xf32, #tpu.memory_space<vmem_shared>> -> memref<10240x128xf32, #tpu.memory_space<vmem_shared>>
        tpu.wait_indirect_dma semaphore(%run_scoped3A_344 : memref<!tpu.dma_semaphore, #tpu.memory_space<semaphore_mem>>) src(%arg11 : memref<128x128xf32, #tpu.memory_space<vmem>>) dst(%dma_wait3A_356 : memref<10240x128xf32, #tpu.memory_space<vmem_shared>>)
        tpu.yield
      }) : () -> ()
      %dma_wait3A_246 = arith.constant 9 : i32
      %dma_wait3A_247 = arith.constant 0 : i32
      %dma_wait3A_248 = tpu.memref_slice %arg8[%dma_wait3A_246, %dma_wait3A_247] : memref<16x128xi32, #tpu.memory_space<vmem>> -> memref<1x128xi32, #tpu.memory_space<vmem>>
      %dma_wait3A_249 = tpu.memref_squeeze %dma_wait3A_248 : memref<1x128xi32, #tpu.memory_space<vmem>> -> memref<128xi32, #tpu.memory_space<vmem>>
      %dma_wait3A_250 = arith.constant 0 : i32
      %dma_wait3A_251 = arith.constant 0 : i32
      %dma_wait3A_252 = tpu.memref_slice %arg4[%dma_wait3A_250, %dma_wait3A_251] : memref<10000x128xf32, #tpu.memory_space<hbm>> -> memref<10000x128xf32, #tpu.memory_space<hbm>>
      tpu.wait_indirect_dma semaphore(%arg15 : memref<!tpu.dma_semaphore, #tpu.memory_space<semaphore_mem>>) src(%dma_wait3A_252 : memref<10000x128xf32, #tpu.memory_space<hbm>>) dst(%arg12 : memref<128x128xf32, #tpu.memory_space<vmem>>)
      %dma_start3A_253 = arith.constant 10 : i32
      %dma_start3A_254 = arith.constant 0 : i32
      %dma_start3A_255 = tpu.memref_slice %arg8[%dma_start3A_253, %dma_start3A_254] : memref<16x128xi32, #tpu.memory_space<vmem>> -> memref<1x128xi32, #tpu.memory_space<vmem>>
      %dma_start3A_256 = tpu.memref_squeeze %dma_start3A_255 : memref<1x128xi32, #tpu.memory_space<vmem>> -> memref<128xi32, #tpu.memory_space<vmem>>
      %dma_start3A_257 = arith.constant 0 : i32
      %dma_start3A_258 = arith.constant 0 : i32
      %dma_start3A_259 = tpu.memref_slice %arg4[%dma_start3A_257, %dma_start3A_258] : memref<10000x128xf32, #tpu.memory_space<hbm>> -> memref<10000x128xf32, #tpu.memory_space<hbm>>
      tpu.enqueue_indirect_dma source(%dma_start3A_259 : memref<10000x128xf32, #tpu.memory_space<hbm>>) target(%arg11 : memref<128x128xf32, #tpu.memory_space<vmem>>) offsets(%dma_start3A_256 : memref<128xi32, #tpu.memory_space<vmem>>) semaphore(%arg14 : memref<!tpu.dma_semaphore, #tpu.memory_space<semaphore_mem>>)
      %run_scoped3A_260 = arith.constant 9 : i32
      "tpu.region"() ({
        %run_scoped3A_344 = tpu.sem_alloc : memref<!tpu.dma_semaphore, #tpu.memory_space<semaphore_mem>>
        %dma_start3A_345 = arith.constant 0 : i32
        %dma_start3A_346 = tpu.memref_slice %arg9[%run_scoped3A_260, %dma_start3A_345] : memref<16x128xi32, #tpu.memory_space<vmem>> -> memref<1x128xi32, #tpu.memory_space<vmem>>
        %dma_start3A_347 = tpu.memref_squeeze %dma_start3A_346 : memref<1x128xi32, #tpu.memory_space<vmem>> -> memref<128xi32, #tpu.memory_space<vmem>>
        %dma_start3A_348 = arith.constant 0 : i32
        %dma_start3A_349 = arith.constant 0 : i32
        %dma_start3A_350 = tpu.memref_slice %arg13[%dma_start3A_348, %dma_start3A_349] : memref<10240x128xf32, #tpu.memory_space<vmem_shared>> -> memref<10240x128xf32, #tpu.memory_space<vmem_shared>>
        tpu.enqueue_indirect_dma source(%arg12 : memref<128x128xf32, #tpu.memory_space<vmem>>) target(%dma_start3A_350 : memref<10240x128xf32, #tpu.memory_space<vmem_shared>>) offsets(%dma_start3A_347 : memref<128xi32, #tpu.memory_space<vmem>>) semaphore(%run_scoped3A_344 : memref<!tpu.dma_semaphore, #tpu.memory_space<semaphore_mem>>) {add = true}
        %dma_wait3A_351 = arith.constant 0 : i32
        %dma_wait3A_352 = tpu.memref_slice %arg9[%run_scoped3A_260, %dma_wait3A_351] : memref<16x128xi32, #tpu.memory_space<vmem>> -> memref<1x128xi32, #tpu.memory_space<vmem>>
        %dma_wait3A_353 = tpu.memref_squeeze %dma_wait3A_352 : memref<1x128xi32, #tpu.memory_space<vmem>> -> memref<128xi32, #tpu.memory_space<vmem>>
        %dma_wait3A_354 = arith.constant 0 : i32
        %dma_wait3A_355 = arith.constant 0 : i32
        %dma_wait3A_356 = tpu.memref_slice %arg13[%dma_wait3A_354, %dma_wait3A_355] : memref<10240x128xf32, #tpu.memory_space<vmem_shared>> -> memref<10240x128xf32, #tpu.memory_space<vmem_shared>>
        tpu.wait_indirect_dma semaphore(%run_scoped3A_344 : memref<!tpu.dma_semaphore, #tpu.memory_space<semaphore_mem>>) src(%arg12 : memref<128x128xf32, #tpu.memory_space<vmem>>) dst(%dma_wait3A_356 : memref<10240x128xf32, #tpu.memory_space<vmem_shared>>)
        tpu.yield
      }) : () -> ()
      %dma_wait3A_261 = arith.constant 10 : i32
      %dma_wait3A_262 = arith.constant 0 : i32
      %dma_wait3A_263 = tpu.memref_slice %arg8[%dma_wait3A_261, %dma_wait3A_262] : memref<16x128xi32, #tpu.memory_space<vmem>> -> memref<1x128xi32, #tpu.memory_space<vmem>>
      %dma_wait3A_264 = tpu.memref_squeeze %dma_wait3A_263 : memref<1x128xi32, #tpu.memory_space<vmem>> -> memref<128xi32, #tpu.memory_space<vmem>>
      %dma_wait3A_265 = arith.constant 0 : i32
      %dma_wait3A_266 = arith.constant 0 : i32
      %dma_wait3A_267 = tpu.memref_slice %arg4[%dma_wait3A_265, %dma_wait3A_266] : memref<10000x128xf32, #tpu.memory_space<hbm>> -> memref<10000x128xf32, #tpu.memory_space<hbm>>
      tpu.wait_indirect_dma semaphore(%arg14 : memref<!tpu.dma_semaphore, #tpu.memory_space<semaphore_mem>>) src(%dma_wait3A_267 : memref<10000x128xf32, #tpu.memory_space<hbm>>) dst(%arg11 : memref<128x128xf32, #tpu.memory_space<vmem>>)
      %dma_start3A_268 = arith.constant 11 : i32
      %dma_start3A_269 = arith.constant 0 : i32
      %dma_start3A_270 = tpu.memref_slice %arg8[%dma_start3A_268, %dma_start3A_269] : memref<16x128xi32, #tpu.memory_space<vmem>> -> memref<1x128xi32, #tpu.memory_space<vmem>>
      %dma_start3A_271 = tpu.memref_squeeze %dma_start3A_270 : memref<1x128xi32, #tpu.memory_space<vmem>> -> memref<128xi32, #tpu.memory_space<vmem>>
      %dma_start3A_272 = arith.constant 0 : i32
      %dma_start3A_273 = arith.constant 0 : i32
      %dma_start3A_274 = tpu.memref_slice %arg4[%dma_start3A_272, %dma_start3A_273] : memref<10000x128xf32, #tpu.memory_space<hbm>> -> memref<10000x128xf32, #tpu.memory_space<hbm>>
      tpu.enqueue_indirect_dma source(%dma_start3A_274 : memref<10000x128xf32, #tpu.memory_space<hbm>>) target(%arg12 : memref<128x128xf32, #tpu.memory_space<vmem>>) offsets(%dma_start3A_271 : memref<128xi32, #tpu.memory_space<vmem>>) semaphore(%arg15 : memref<!tpu.dma_semaphore, #tpu.memory_space<semaphore_mem>>)
      %run_scoped3A_275 = arith.constant 10 : i32
      "tpu.region"() ({
        %run_scoped3A_344 = tpu.sem_alloc : memref<!tpu.dma_semaphore, #tpu.memory_space<semaphore_mem>>
        %dma_start3A_345 = arith.constant 0 : i32
        %dma_start3A_346 = tpu.memref_slice %arg9[%run_scoped3A_275, %dma_start3A_345] : memref<16x128xi32, #tpu.memory_space<vmem>> -> memref<1x128xi32, #tpu.memory_space<vmem>>
        %dma_start3A_347 = tpu.memref_squeeze %dma_start3A_346 : memref<1x128xi32, #tpu.memory_space<vmem>> -> memref<128xi32, #tpu.memory_space<vmem>>
        %dma_start3A_348 = arith.constant 0 : i32
        %dma_start3A_349 = arith.constant 0 : i32
        %dma_start3A_350 = tpu.memref_slice %arg13[%dma_start3A_348, %dma_start3A_349] : memref<10240x128xf32, #tpu.memory_space<vmem_shared>> -> memref<10240x128xf32, #tpu.memory_space<vmem_shared>>
        tpu.enqueue_indirect_dma source(%arg11 : memref<128x128xf32, #tpu.memory_space<vmem>>) target(%dma_start3A_350 : memref<10240x128xf32, #tpu.memory_space<vmem_shared>>) offsets(%dma_start3A_347 : memref<128xi32, #tpu.memory_space<vmem>>) semaphore(%run_scoped3A_344 : memref<!tpu.dma_semaphore, #tpu.memory_space<semaphore_mem>>) {add = true}
        %dma_wait3A_351 = arith.constant 0 : i32
        %dma_wait3A_352 = tpu.memref_slice %arg9[%run_scoped3A_275, %dma_wait3A_351] : memref<16x128xi32, #tpu.memory_space<vmem>> -> memref<1x128xi32, #tpu.memory_space<vmem>>
        %dma_wait3A_353 = tpu.memref_squeeze %dma_wait3A_352 : memref<1x128xi32, #tpu.memory_space<vmem>> -> memref<128xi32, #tpu.memory_space<vmem>>
        %dma_wait3A_354 = arith.constant 0 : i32
        %dma_wait3A_355 = arith.constant 0 : i32
        %dma_wait3A_356 = tpu.memref_slice %arg13[%dma_wait3A_354, %dma_wait3A_355] : memref<10240x128xf32, #tpu.memory_space<vmem_shared>> -> memref<10240x128xf32, #tpu.memory_space<vmem_shared>>
        tpu.wait_indirect_dma semaphore(%run_scoped3A_344 : memref<!tpu.dma_semaphore, #tpu.memory_space<semaphore_mem>>) src(%arg11 : memref<128x128xf32, #tpu.memory_space<vmem>>) dst(%dma_wait3A_356 : memref<10240x128xf32, #tpu.memory_space<vmem_shared>>)
        tpu.yield
      }) : () -> ()
      %dma_wait3A_276 = arith.constant 11 : i32
      %dma_wait3A_277 = arith.constant 0 : i32
      %dma_wait3A_278 = tpu.memref_slice %arg8[%dma_wait3A_276, %dma_wait3A_277] : memref<16x128xi32, #tpu.memory_space<vmem>> -> memref<1x128xi32, #tpu.memory_space<vmem>>
      %dma_wait3A_279 = tpu.memref_squeeze %dma_wait3A_278 : memref<1x128xi32, #tpu.memory_space<vmem>> -> memref<128xi32, #tpu.memory_space<vmem>>
      %dma_wait3A_280 = arith.constant 0 : i32
      %dma_wait3A_281 = arith.constant 0 : i32
      %dma_wait3A_282 = tpu.memref_slice %arg4[%dma_wait3A_280, %dma_wait3A_281] : memref<10000x128xf32, #tpu.memory_space<hbm>> -> memref<10000x128xf32, #tpu.memory_space<hbm>>
      tpu.wait_indirect_dma semaphore(%arg15 : memref<!tpu.dma_semaphore, #tpu.memory_space<semaphore_mem>>) src(%dma_wait3A_282 : memref<10000x128xf32, #tpu.memory_space<hbm>>) dst(%arg12 : memref<128x128xf32, #tpu.memory_space<vmem>>)
      %dma_start3A_283 = arith.constant 12 : i32
      %dma_start3A_284 = arith.constant 0 : i32
      %dma_start3A_285 = tpu.memref_slice %arg8[%dma_start3A_283, %dma_start3A_284] : memref<16x128xi32, #tpu.memory_space<vmem>> -> memref<1x128xi32, #tpu.memory_space<vmem>>
      %dma_start3A_286 = tpu.memref_squeeze %dma_start3A_285 : memref<1x128xi32, #tpu.memory_space<vmem>> -> memref<128xi32, #tpu.memory_space<vmem>>
      %dma_start3A_287 = arith.constant 0 : i32
      %dma_start3A_288 = arith.constant 0 : i32
      %dma_start3A_289 = tpu.memref_slice %arg4[%dma_start3A_287, %dma_start3A_288] : memref<10000x128xf32, #tpu.memory_space<hbm>> -> memref<10000x128xf32, #tpu.memory_space<hbm>>
      tpu.enqueue_indirect_dma source(%dma_start3A_289 : memref<10000x128xf32, #tpu.memory_space<hbm>>) target(%arg11 : memref<128x128xf32, #tpu.memory_space<vmem>>) offsets(%dma_start3A_286 : memref<128xi32, #tpu.memory_space<vmem>>) semaphore(%arg14 : memref<!tpu.dma_semaphore, #tpu.memory_space<semaphore_mem>>)
      %run_scoped3A_290 = arith.constant 11 : i32
      "tpu.region"() ({
        %run_scoped3A_344 = tpu.sem_alloc : memref<!tpu.dma_semaphore, #tpu.memory_space<semaphore_mem>>
        %dma_start3A_345 = arith.constant 0 : i32
        %dma_start3A_346 = tpu.memref_slice %arg9[%run_scoped3A_290, %dma_start3A_345] : memref<16x128xi32, #tpu.memory_space<vmem>> -> memref<1x128xi32, #tpu.memory_space<vmem>>
        %dma_start3A_347 = tpu.memref_squeeze %dma_start3A_346 : memref<1x128xi32, #tpu.memory_space<vmem>> -> memref<128xi32, #tpu.memory_space<vmem>>
        %dma_start3A_348 = arith.constant 0 : i32
        %dma_start3A_349 = arith.constant 0 : i32
        %dma_start3A_350 = tpu.memref_slice %arg13[%dma_start3A_348, %dma_start3A_349] : memref<10240x128xf32, #tpu.memory_space<vmem_shared>> -> memref<10240x128xf32, #tpu.memory_space<vmem_shared>>
        tpu.enqueue_indirect_dma source(%arg12 : memref<128x128xf32, #tpu.memory_space<vmem>>) target(%dma_start3A_350 : memref<10240x128xf32, #tpu.memory_space<vmem_shared>>) offsets(%dma_start3A_347 : memref<128xi32, #tpu.memory_space<vmem>>) semaphore(%run_scoped3A_344 : memref<!tpu.dma_semaphore, #tpu.memory_space<semaphore_mem>>) {add = true}
        %dma_wait3A_351 = arith.constant 0 : i32
        %dma_wait3A_352 = tpu.memref_slice %arg9[%run_scoped3A_290, %dma_wait3A_351] : memref<16x128xi32, #tpu.memory_space<vmem>> -> memref<1x128xi32, #tpu.memory_space<vmem>>
        %dma_wait3A_353 = tpu.memref_squeeze %dma_wait3A_352 : memref<1x128xi32, #tpu.memory_space<vmem>> -> memref<128xi32, #tpu.memory_space<vmem>>
        %dma_wait3A_354 = arith.constant 0 : i32
        %dma_wait3A_355 = arith.constant 0 : i32
        %dma_wait3A_356 = tpu.memref_slice %arg13[%dma_wait3A_354, %dma_wait3A_355] : memref<10240x128xf32, #tpu.memory_space<vmem_shared>> -> memref<10240x128xf32, #tpu.memory_space<vmem_shared>>
        tpu.wait_indirect_dma semaphore(%run_scoped3A_344 : memref<!tpu.dma_semaphore, #tpu.memory_space<semaphore_mem>>) src(%arg12 : memref<128x128xf32, #tpu.memory_space<vmem>>) dst(%dma_wait3A_356 : memref<10240x128xf32, #tpu.memory_space<vmem_shared>>)
        tpu.yield
      }) : () -> ()
      %dma_wait3A_291 = arith.constant 12 : i32
      %dma_wait3A_292 = arith.constant 0 : i32
      %dma_wait3A_293 = tpu.memref_slice %arg8[%dma_wait3A_291, %dma_wait3A_292] : memref<16x128xi32, #tpu.memory_space<vmem>> -> memref<1x128xi32, #tpu.memory_space<vmem>>
      %dma_wait3A_294 = tpu.memref_squeeze %dma_wait3A_293 : memref<1x128xi32, #tpu.memory_space<vmem>> -> memref<128xi32, #tpu.memory_space<vmem>>
      %dma_wait3A_295 = arith.constant 0 : i32
      %dma_wait3A_296 = arith.constant 0 : i32
      %dma_wait3A_297 = tpu.memref_slice %arg4[%dma_wait3A_295, %dma_wait3A_296] : memref<10000x128xf32, #tpu.memory_space<hbm>> -> memref<10000x128xf32, #tpu.memory_space<hbm>>
      tpu.wait_indirect_dma semaphore(%arg14 : memref<!tpu.dma_semaphore, #tpu.memory_space<semaphore_mem>>) src(%dma_wait3A_297 : memref<10000x128xf32, #tpu.memory_space<hbm>>) dst(%arg11 : memref<128x128xf32, #tpu.memory_space<vmem>>)
      %dma_start3A_298 = arith.constant 13 : i32
      %dma_start3A_299 = arith.constant 0 : i32
      %dma_start3A_300 = tpu.memref_slice %arg8[%dma_start3A_298, %dma_start3A_299] : memref<16x128xi32, #tpu.memory_space<vmem>> -> memref<1x128xi32, #tpu.memory_space<vmem>>
      %dma_start3A_301 = tpu.memref_squeeze %dma_start3A_300 : memref<1x128xi32, #tpu.memory_space<vmem>> -> memref<128xi32, #tpu.memory_space<vmem>>
      %dma_start3A_302 = arith.constant 0 : i32
      %dma_start3A_303 = arith.constant 0 : i32
      %dma_start3A_304 = tpu.memref_slice %arg4[%dma_start3A_302, %dma_start3A_303] : memref<10000x128xf32, #tpu.memory_space<hbm>> -> memref<10000x128xf32, #tpu.memory_space<hbm>>
      tpu.enqueue_indirect_dma source(%dma_start3A_304 : memref<10000x128xf32, #tpu.memory_space<hbm>>) target(%arg12 : memref<128x128xf32, #tpu.memory_space<vmem>>) offsets(%dma_start3A_301 : memref<128xi32, #tpu.memory_space<vmem>>) semaphore(%arg15 : memref<!tpu.dma_semaphore, #tpu.memory_space<semaphore_mem>>)
      %run_scoped3A_305 = arith.constant 12 : i32
      "tpu.region"() ({
        %run_scoped3A_344 = tpu.sem_alloc : memref<!tpu.dma_semaphore, #tpu.memory_space<semaphore_mem>>
        %dma_start3A_345 = arith.constant 0 : i32
        %dma_start3A_346 = tpu.memref_slice %arg9[%run_scoped3A_305, %dma_start3A_345] : memref<16x128xi32, #tpu.memory_space<vmem>> -> memref<1x128xi32, #tpu.memory_space<vmem>>
        %dma_start3A_347 = tpu.memref_squeeze %dma_start3A_346 : memref<1x128xi32, #tpu.memory_space<vmem>> -> memref<128xi32, #tpu.memory_space<vmem>>
        %dma_start3A_348 = arith.constant 0 : i32
        %dma_start3A_349 = arith.constant 0 : i32
        %dma_start3A_350 = tpu.memref_slice %arg13[%dma_start3A_348, %dma_start3A_349] : memref<10240x128xf32, #tpu.memory_space<vmem_shared>> -> memref<10240x128xf32, #tpu.memory_space<vmem_shared>>
        tpu.enqueue_indirect_dma source(%arg11 : memref<128x128xf32, #tpu.memory_space<vmem>>) target(%dma_start3A_350 : memref<10240x128xf32, #tpu.memory_space<vmem_shared>>) offsets(%dma_start3A_347 : memref<128xi32, #tpu.memory_space<vmem>>) semaphore(%run_scoped3A_344 : memref<!tpu.dma_semaphore, #tpu.memory_space<semaphore_mem>>) {add = true}
        %dma_wait3A_351 = arith.constant 0 : i32
        %dma_wait3A_352 = tpu.memref_slice %arg9[%run_scoped3A_305, %dma_wait3A_351] : memref<16x128xi32, #tpu.memory_space<vmem>> -> memref<1x128xi32, #tpu.memory_space<vmem>>
        %dma_wait3A_353 = tpu.memref_squeeze %dma_wait3A_352 : memref<1x128xi32, #tpu.memory_space<vmem>> -> memref<128xi32, #tpu.memory_space<vmem>>
        %dma_wait3A_354 = arith.constant 0 : i32
        %dma_wait3A_355 = arith.constant 0 : i32
        %dma_wait3A_356 = tpu.memref_slice %arg13[%dma_wait3A_354, %dma_wait3A_355] : memref<10240x128xf32, #tpu.memory_space<vmem_shared>> -> memref<10240x128xf32, #tpu.memory_space<vmem_shared>>
        tpu.wait_indirect_dma semaphore(%run_scoped3A_344 : memref<!tpu.dma_semaphore, #tpu.memory_space<semaphore_mem>>) src(%arg11 : memref<128x128xf32, #tpu.memory_space<vmem>>) dst(%dma_wait3A_356 : memref<10240x128xf32, #tpu.memory_space<vmem_shared>>)
        tpu.yield
      }) : () -> ()
      %dma_wait3A_306 = arith.constant 13 : i32
      %dma_wait3A_307 = arith.constant 0 : i32
      %dma_wait3A_308 = tpu.memref_slice %arg8[%dma_wait3A_306, %dma_wait3A_307] : memref<16x128xi32, #tpu.memory_space<vmem>> -> memref<1x128xi32, #tpu.memory_space<vmem>>
      %dma_wait3A_309 = tpu.memref_squeeze %dma_wait3A_308 : memref<1x128xi32, #tpu.memory_space<vmem>> -> memref<128xi32, #tpu.memory_space<vmem>>
      %dma_wait3A_310 = arith.constant 0 : i32
      %dma_wait3A_311 = arith.constant 0 : i32
      %dma_wait3A_312 = tpu.memref_slice %arg4[%dma_wait3A_310, %dma_wait3A_311] : memref<10000x128xf32, #tpu.memory_space<hbm>> -> memref<10000x128xf32, #tpu.memory_space<hbm>>
      tpu.wait_indirect_dma semaphore(%arg15 : memref<!tpu.dma_semaphore, #tpu.memory_space<semaphore_mem>>) src(%dma_wait3A_312 : memref<10000x128xf32, #tpu.memory_space<hbm>>) dst(%arg12 : memref<128x128xf32, #tpu.memory_space<vmem>>)
      %dma_start3A_313 = arith.constant 14 : i32
      %dma_start3A_314 = arith.constant 0 : i32
      %dma_start3A_315 = tpu.memref_slice %arg8[%dma_start3A_313, %dma_start3A_314] : memref<16x128xi32, #tpu.memory_space<vmem>> -> memref<1x128xi32, #tpu.memory_space<vmem>>
      %dma_start3A_316 = tpu.memref_squeeze %dma_start3A_315 : memref<1x128xi32, #tpu.memory_space<vmem>> -> memref<128xi32, #tpu.memory_space<vmem>>
      %dma_start3A_317 = arith.constant 0 : i32
      %dma_start3A_318 = arith.constant 0 : i32
      %dma_start3A_319 = tpu.memref_slice %arg4[%dma_start3A_317, %dma_start3A_318] : memref<10000x128xf32, #tpu.memory_space<hbm>> -> memref<10000x128xf32, #tpu.memory_space<hbm>>
      tpu.enqueue_indirect_dma source(%dma_start3A_319 : memref<10000x128xf32, #tpu.memory_space<hbm>>) target(%arg11 : memref<128x128xf32, #tpu.memory_space<vmem>>) offsets(%dma_start3A_316 : memref<128xi32, #tpu.memory_space<vmem>>) semaphore(%arg14 : memref<!tpu.dma_semaphore, #tpu.memory_space<semaphore_mem>>)
      %run_scoped3A_320 = arith.constant 13 : i32
      "tpu.region"() ({
        %run_scoped3A_344 = tpu.sem_alloc : memref<!tpu.dma_semaphore, #tpu.memory_space<semaphore_mem>>
        %dma_start3A_345 = arith.constant 0 : i32
        %dma_start3A_346 = tpu.memref_slice %arg9[%run_scoped3A_320, %dma_start3A_345] : memref<16x128xi32, #tpu.memory_space<vmem>> -> memref<1x128xi32, #tpu.memory_space<vmem>>
        %dma_start3A_347 = tpu.memref_squeeze %dma_start3A_346 : memref<1x128xi32, #tpu.memory_space<vmem>> -> memref<128xi32, #tpu.memory_space<vmem>>
        %dma_start3A_348 = arith.constant 0 : i32
        %dma_start3A_349 = arith.constant 0 : i32
        %dma_start3A_350 = tpu.memref_slice %arg13[%dma_start3A_348, %dma_start3A_349] : memref<10240x128xf32, #tpu.memory_space<vmem_shared>> -> memref<10240x128xf32, #tpu.memory_space<vmem_shared>>
        tpu.enqueue_indirect_dma source(%arg12 : memref<128x128xf32, #tpu.memory_space<vmem>>) target(%dma_start3A_350 : memref<10240x128xf32, #tpu.memory_space<vmem_shared>>) offsets(%dma_start3A_347 : memref<128xi32, #tpu.memory_space<vmem>>) semaphore(%run_scoped3A_344 : memref<!tpu.dma_semaphore, #tpu.memory_space<semaphore_mem>>) {add = true}
        %dma_wait3A_351 = arith.constant 0 : i32
        %dma_wait3A_352 = tpu.memref_slice %arg9[%run_scoped3A_320, %dma_wait3A_351] : memref<16x128xi32, #tpu.memory_space<vmem>> -> memref<1x128xi32, #tpu.memory_space<vmem>>
        %dma_wait3A_353 = tpu.memref_squeeze %dma_wait3A_352 : memref<1x128xi32, #tpu.memory_space<vmem>> -> memref<128xi32, #tpu.memory_space<vmem>>
        %dma_wait3A_354 = arith.constant 0 : i32
        %dma_wait3A_355 = arith.constant 0 : i32
        %dma_wait3A_356 = tpu.memref_slice %arg13[%dma_wait3A_354, %dma_wait3A_355] : memref<10240x128xf32, #tpu.memory_space<vmem_shared>> -> memref<10240x128xf32, #tpu.memory_space<vmem_shared>>
        tpu.wait_indirect_dma semaphore(%run_scoped3A_344 : memref<!tpu.dma_semaphore, #tpu.memory_space<semaphore_mem>>) src(%arg12 : memref<128x128xf32, #tpu.memory_space<vmem>>) dst(%dma_wait3A_356 : memref<10240x128xf32, #tpu.memory_space<vmem_shared>>)
        tpu.yield
      }) : () -> ()
      %dma_wait3A_321 = arith.constant 14 : i32
      %dma_wait3A_322 = arith.constant 0 : i32
      %dma_wait3A_323 = tpu.memref_slice %arg8[%dma_wait3A_321, %dma_wait3A_322] : memref<16x128xi32, #tpu.memory_space<vmem>> -> memref<1x128xi32, #tpu.memory_space<vmem>>
      %dma_wait3A_324 = tpu.memref_squeeze %dma_wait3A_323 : memref<1x128xi32, #tpu.memory_space<vmem>> -> memref<128xi32, #tpu.memory_space<vmem>>
      %dma_wait3A_325 = arith.constant 0 : i32
      %dma_wait3A_326 = arith.constant 0 : i32
      %dma_wait3A_327 = tpu.memref_slice %arg4[%dma_wait3A_325, %dma_wait3A_326] : memref<10000x128xf32, #tpu.memory_space<hbm>> -> memref<10000x128xf32, #tpu.memory_space<hbm>>
      tpu.wait_indirect_dma semaphore(%arg14 : memref<!tpu.dma_semaphore, #tpu.memory_space<semaphore_mem>>) src(%dma_wait3A_327 : memref<10000x128xf32, #tpu.memory_space<hbm>>) dst(%arg11 : memref<128x128xf32, #tpu.memory_space<vmem>>)
      %dma_start3A_328 = arith.constant 15 : i32
      %dma_start3A_329 = arith.constant 0 : i32
      %dma_start3A_330 = tpu.memref_slice %arg8[%dma_start3A_328, %dma_start3A_329] : memref<16x128xi32, #tpu.memory_space<vmem>> -> memref<1x128xi32, #tpu.memory_space<vmem>>
      %dma_start3A_331 = tpu.memref_squeeze %dma_start3A_330 : memref<1x128xi32, #tpu.memory_space<vmem>> -> memref<128xi32, #tpu.memory_space<vmem>>
      %dma_start3A_332 = arith.constant 0 : i32
      %dma_start3A_333 = arith.constant 0 : i32
      %dma_start3A_334 = tpu.memref_slice %arg4[%dma_start3A_332, %dma_start3A_333] : memref<10000x128xf32, #tpu.memory_space<hbm>> -> memref<10000x128xf32, #tpu.memory_space<hbm>>
      tpu.enqueue_indirect_dma source(%dma_start3A_334 : memref<10000x128xf32, #tpu.memory_space<hbm>>) target(%arg12 : memref<128x128xf32, #tpu.memory_space<vmem>>) offsets(%dma_start3A_331 : memref<128xi32, #tpu.memory_space<vmem>>) semaphore(%arg15 : memref<!tpu.dma_semaphore, #tpu.memory_space<semaphore_mem>>)
      %run_scoped3A_335 = arith.constant 14 : i32
      "tpu.region"() ({
        %run_scoped3A_344 = tpu.sem_alloc : memref<!tpu.dma_semaphore, #tpu.memory_space<semaphore_mem>>
        %dma_start3A_345 = arith.constant 0 : i32
        %dma_start3A_346 = tpu.memref_slice %arg9[%run_scoped3A_335, %dma_start3A_345] : memref<16x128xi32, #tpu.memory_space<vmem>> -> memref<1x128xi32, #tpu.memory_space<vmem>>
        %dma_start3A_347 = tpu.memref_squeeze %dma_start3A_346 : memref<1x128xi32, #tpu.memory_space<vmem>> -> memref<128xi32, #tpu.memory_space<vmem>>
        %dma_start3A_348 = arith.constant 0 : i32
        %dma_start3A_349 = arith.constant 0 : i32
        %dma_start3A_350 = tpu.memref_slice %arg13[%dma_start3A_348, %dma_start3A_349] : memref<10240x128xf32, #tpu.memory_space<vmem_shared>> -> memref<10240x128xf32, #tpu.memory_space<vmem_shared>>
        tpu.enqueue_indirect_dma source(%arg11 : memref<128x128xf32, #tpu.memory_space<vmem>>) target(%dma_start3A_350 : memref<10240x128xf32, #tpu.memory_space<vmem_shared>>) offsets(%dma_start3A_347 : memref<128xi32, #tpu.memory_space<vmem>>) semaphore(%run_scoped3A_344 : memref<!tpu.dma_semaphore, #tpu.memory_space<semaphore_mem>>) {add = true}
        %dma_wait3A_351 = arith.constant 0 : i32
        %dma_wait3A_352 = tpu.memref_slice %arg9[%run_scoped3A_335, %dma_wait3A_351] : memref<16x128xi32, #tpu.memory_space<vmem>> -> memref<1x128xi32, #tpu.memory_space<vmem>>
        %dma_wait3A_353 = tpu.memref_squeeze %dma_wait3A_352 : memref<1x128xi32, #tpu.memory_space<vmem>> -> memref<128xi32, #tpu.memory_space<vmem>>
        %dma_wait3A_354 = arith.constant 0 : i32
        %dma_wait3A_355 = arith.constant 0 : i32
        %dma_wait3A_356 = tpu.memref_slice %arg13[%dma_wait3A_354, %dma_wait3A_355] : memref<10240x128xf32, #tpu.memory_space<vmem_shared>> -> memref<10240x128xf32, #tpu.memory_space<vmem_shared>>
        tpu.wait_indirect_dma semaphore(%run_scoped3A_344 : memref<!tpu.dma_semaphore, #tpu.memory_space<semaphore_mem>>) src(%arg11 : memref<128x128xf32, #tpu.memory_space<vmem>>) dst(%dma_wait3A_356 : memref<10240x128xf32, #tpu.memory_space<vmem_shared>>)
        tpu.yield
      }) : () -> ()
      %dma_wait3A_336 = arith.constant 15 : i32
      %dma_wait3A_337 = arith.constant 0 : i32
      %dma_wait3A_338 = tpu.memref_slice %arg8[%dma_wait3A_336, %dma_wait3A_337] : memref<16x128xi32, #tpu.memory_space<vmem>> -> memref<1x128xi32, #tpu.memory_space<vmem>>
      %dma_wait3A_339 = tpu.memref_squeeze %dma_wait3A_338 : memref<1x128xi32, #tpu.memory_space<vmem>> -> memref<128xi32, #tpu.memory_space<vmem>>
      %dma_wait3A_340 = arith.constant 0 : i32
      %dma_wait3A_341 = arith.constant 0 : i32
      %dma_wait3A_342 = tpu.memref_slice %arg4[%dma_wait3A_340, %dma_wait3A_341] : memref<10000x128xf32, #tpu.memory_space<hbm>> -> memref<10000x128xf32, #tpu.memory_space<hbm>>
      tpu.wait_indirect_dma semaphore(%arg15 : memref<!tpu.dma_semaphore, #tpu.memory_space<semaphore_mem>>) src(%dma_wait3A_342 : memref<10000x128xf32, #tpu.memory_space<hbm>>) dst(%arg12 : memref<128x128xf32, #tpu.memory_space<vmem>>)
      %run_scoped3A_343 = arith.constant 15 : i32
      "tpu.region"() ({
        %run_scoped3A_344 = tpu.sem_alloc : memref<!tpu.dma_semaphore, #tpu.memory_space<semaphore_mem>>
        %dma_start3A_345 = arith.constant 0 : i32
        %dma_start3A_346 = tpu.memref_slice %arg9[%run_scoped3A_343, %dma_start3A_345] : memref<16x128xi32, #tpu.memory_space<vmem>> -> memref<1x128xi32, #tpu.memory_space<vmem>>
        %dma_start3A_347 = tpu.memref_squeeze %dma_start3A_346 : memref<1x128xi32, #tpu.memory_space<vmem>> -> memref<128xi32, #tpu.memory_space<vmem>>
        %dma_start3A_348 = arith.constant 0 : i32
        %dma_start3A_349 = arith.constant 0 : i32
        %dma_start3A_350 = tpu.memref_slice %arg13[%dma_start3A_348, %dma_start3A_349] : memref<10240x128xf32, #tpu.memory_space<vmem_shared>> -> memref<10240x128xf32, #tpu.memory_space<vmem_shared>>
        tpu.enqueue_indirect_dma source(%arg12 : memref<128x128xf32, #tpu.memory_space<vmem>>) target(%dma_start3A_350 : memref<10240x128xf32, #tpu.memory_space<vmem_shared>>) offsets(%dma_start3A_347 : memref<128xi32, #tpu.memory_space<vmem>>) semaphore(%run_scoped3A_344 : memref<!tpu.dma_semaphore, #tpu.memory_space<semaphore_mem>>) {add = true}
        %dma_wait3A_351 = arith.constant 0 : i32
        %dma_wait3A_352 = tpu.memref_slice %arg9[%run_scoped3A_343, %dma_wait3A_351] : memref<16x128xi32, #tpu.memory_space<vmem>> -> memref<1x128xi32, #tpu.memory_space<vmem>>
        %dma_wait3A_353 = tpu.memref_squeeze %dma_wait3A_352 : memref<1x128xi32, #tpu.memory_space<vmem>> -> memref<128xi32, #tpu.memory_space<vmem>>
        %dma_wait3A_354 = arith.constant 0 : i32
        %dma_wait3A_355 = arith.constant 0 : i32
        %dma_wait3A_356 = tpu.memref_slice %arg13[%dma_wait3A_354, %dma_wait3A_355] : memref<10240x128xf32, #tpu.memory_space<vmem_shared>> -> memref<10240x128xf32, #tpu.memory_space<vmem_shared>>
        tpu.wait_indirect_dma semaphore(%run_scoped3A_344 : memref<!tpu.dma_semaphore, #tpu.memory_space<semaphore_mem>>) src(%arg12 : memref<128x128xf32, #tpu.memory_space<vmem>>) dst(%dma_wait3A_356 : memref<10240x128xf32, #tpu.memory_space<vmem_shared>>)
        tpu.yield
      }) : () -> ()
    }
    %scan3A_9 = arith.constant 5 : i32
    %barrier3A_10 = arith.constant 0 : index
    tpu.barrier barrier_id(%barrier3A_10)
    %mul3A_11 = arith.constant 640 : i32
    %mul3A_12 = arith.muli %arg1, %mul3A_11 : i32
    %add3A_13 = arith.constant 0 : i32
    %add3A_14 = arith.addi %mul3A_12, %add3A_13 : i32
    %dma_start3A = arith.constant 0 : i32
    %dma_start3A_15 = arith.constant 0 : i32
    %dma_start3A_16 = tpu.memref_slice %arg10[%dma_start3A, %dma_start3A_15] : memref<5x128xi32, #tpu.memory_space<vmem>> -> memref<1x128xi32, #tpu.memory_space<vmem>>
    %dma_start3A_17 = tpu.memref_squeeze %dma_start3A_16 : memref<1x128xi32, #tpu.memory_space<vmem>> -> memref<128xi32, #tpu.memory_space<vmem>>
    %dma_start3A_18 = arith.constant 0 : i32
    %dma_start3A_19 = arith.constant 0 : i32
    %dma_start3A_20 = tpu.memref_slice %arg13[%dma_start3A_18, %dma_start3A_19] : memref<10240x128xf32, #tpu.memory_space<vmem_shared>> -> memref<10240x128xf32, #tpu.memory_space<vmem_shared>>
    tpu.enqueue_indirect_dma source(%dma_start3A_20 : memref<10240x128xf32, #tpu.memory_space<vmem_shared>>) target(%arg11 : memref<128x128xf32, #tpu.memory_space<vmem>>) offsets(%dma_start3A_17 : memref<128xi32, #tpu.memory_space<vmem>>) semaphore(%arg14 : memref<!tpu.dma_semaphore, #tpu.memory_space<semaphore_mem>>)
    %dma_wait3A = arith.constant 0 : i32
    %dma_wait3A_21 = arith.constant 0 : i32
    %dma_wait3A_22 = tpu.memref_slice %arg10[%dma_wait3A, %dma_wait3A_21] : memref<5x128xi32, #tpu.memory_space<vmem>> -> memref<1x128xi32, #tpu.memory_space<vmem>>
    %dma_wait3A_23 = tpu.memref_squeeze %dma_wait3A_22 : memref<1x128xi32, #tpu.memory_space<vmem>> -> memref<128xi32, #tpu.memory_space<vmem>>
    %dma_wait3A_24 = arith.constant 0 : i32
    %dma_wait3A_25 = arith.constant 0 : i32
    %dma_wait3A_26 = tpu.memref_slice %arg13[%dma_wait3A_24, %dma_wait3A_25] : memref<10240x128xf32, #tpu.memory_space<vmem_shared>> -> memref<10240x128xf32, #tpu.memory_space<vmem_shared>>
    tpu.wait_indirect_dma semaphore(%arg14 : memref<!tpu.dma_semaphore, #tpu.memory_space<semaphore_mem>>) src(%dma_wait3A_26 : memref<10240x128xf32, #tpu.memory_space<vmem_shared>>) dst(%arg11 : memref<128x128xf32, #tpu.memory_space<vmem>>)
    "tpu.region"() ({
      %run_scoped3A_99 = tpu.sem_alloc : memref<!tpu.dma_semaphore, #tpu.memory_space<semaphore_mem>>
      %dma_start3A_100 = arith.constant 0 : i32
      %dma_start3A_101 = tpu.memref_slice %arg7[%arg0, %add3A_14, %dma_start3A_100] : memref<2x10240x128xf32, #tpu.memory_space<hbm>> -> memref<1x128x128xf32, #tpu.memory_space<hbm>>
      %dma_start3A_102 = tpu.memref_squeeze %dma_start3A_101 : memref<1x128x128xf32, #tpu.memory_space<hbm>> -> memref<128x128xf32, #tpu.memory_space<hbm>>
      %dma_start3A_103 = arith.constant 0 : i32
      %dma_start3A_104 = tpu.memref_slice %arg7[%arg0, %add3A_14, %dma_start3A_103] : memref<2x10240x128xf32, #tpu.memory_space<hbm>> -> memref<1x128x128xf32, #tpu.memory_space<hbm>>
      %dma_start3A_105 = tpu.memref_squeeze %dma_start3A_104 : memref<1x128x128xf32, #tpu.memory_space<hbm>> -> memref<128x128xf32, #tpu.memory_space<hbm>>
      tpu.enqueue_dma source(%arg11 : memref<128x128xf32, #tpu.memory_space<vmem>>) target(%dma_start3A_105 : memref<128x128xf32, #tpu.memory_space<hbm>>) target_semaphore(%run_scoped3A_99 : memref<!tpu.dma_semaphore, #tpu.memory_space<semaphore_mem>>)
      %dma_wait3A_106 = arith.constant 0 : i32
      %dma_wait3A_107 = tpu.memref_slice %arg7[%arg0, %add3A_14, %dma_wait3A_106] : memref<2x10240x128xf32, #tpu.memory_space<hbm>> -> memref<1x128x128xf32, #tpu.memory_space<hbm>>
      %dma_wait3A_108 = tpu.memref_squeeze %dma_wait3A_107 : memref<1x128x128xf32, #tpu.memory_space<hbm>> -> memref<128x128xf32, #tpu.memory_space<hbm>>
      %dma_wait3A_109 = arith.constant 0 : i32
      %dma_wait3A_110 = tpu.memref_slice %arg7[%arg0, %add3A_14, %dma_wait3A_109] : memref<2x10240x128xf32, #tpu.memory_space<hbm>> -> memref<1x128x128xf32, #tpu.memory_space<hbm>>
      %dma_wait3A_111 = tpu.memref_squeeze %dma_wait3A_110 : memref<1x128x128xf32, #tpu.memory_space<hbm>> -> memref<128x128xf32, #tpu.memory_space<hbm>>
      tpu.wait_dma2 semaphore(%run_scoped3A_99 : memref<!tpu.dma_semaphore, #tpu.memory_space<semaphore_mem>>) src(%arg11 : memref<128x128xf32, #tpu.memory_space<vmem>>) dst(%dma_wait3A_111 : memref<128x128xf32, #tpu.memory_space<hbm>>)
      tpu.yield
    }) : () -> ()
    %mul3A_27 = arith.constant 640 : i32
    %mul3A_28 = arith.muli %arg1, %mul3A_27 : i32
    %add3A_29 = arith.constant 128 : i32
    %add3A_30 = arith.addi %mul3A_28, %add3A_29 : i32
    %dma_start3A_31 = arith.constant 1 : i32
    %dma_start3A_32 = arith.constant 0 : i32
    %dma_start3A_33 = tpu.memref_slice %arg10[%dma_start3A_31, %dma_start3A_32] : memref<5x128xi32, #tpu.memory_space<vmem>> -> memref<1x128xi32, #tpu.memory_space<vmem>>
    %dma_start3A_34 = tpu.memref_squeeze %dma_start3A_33 : memref<1x128xi32, #tpu.memory_space<vmem>> -> memref<128xi32, #tpu.memory_space<vmem>>
    %dma_start3A_35 = arith.constant 0 : i32
    %dma_start3A_36 = arith.constant 0 : i32
    %dma_start3A_37 = tpu.memref_slice %arg13[%dma_start3A_35, %dma_start3A_36] : memref<10240x128xf32, #tpu.memory_space<vmem_shared>> -> memref<10240x128xf32, #tpu.memory_space<vmem_shared>>
    tpu.enqueue_indirect_dma source(%dma_start3A_37 : memref<10240x128xf32, #tpu.memory_space<vmem_shared>>) target(%arg11 : memref<128x128xf32, #tpu.memory_space<vmem>>) offsets(%dma_start3A_34 : memref<128xi32, #tpu.memory_space<vmem>>) semaphore(%arg14 : memref<!tpu.dma_semaphore, #tpu.memory_space<semaphore_mem>>)
    %dma_wait3A_38 = arith.constant 1 : i32
    %dma_wait3A_39 = arith.constant 0 : i32
    %dma_wait3A_40 = tpu.memref_slice %arg10[%dma_wait3A_38, %dma_wait3A_39] : memref<5x128xi32, #tpu.memory_space<vmem>> -> memref<1x128xi32, #tpu.memory_space<vmem>>
    %dma_wait3A_41 = tpu.memref_squeeze %dma_wait3A_40 : memref<1x128xi32, #tpu.memory_space<vmem>> -> memref<128xi32, #tpu.memory_space<vmem>>
    %dma_wait3A_42 = arith.constant 0 : i32
    %dma_wait3A_43 = arith.constant 0 : i32
    %dma_wait3A_44 = tpu.memref_slice %arg13[%dma_wait3A_42, %dma_wait3A_43] : memref<10240x128xf32, #tpu.memory_space<vmem_shared>> -> memref<10240x128xf32, #tpu.memory_space<vmem_shared>>
    tpu.wait_indirect_dma semaphore(%arg14 : memref<!tpu.dma_semaphore, #tpu.memory_space<semaphore_mem>>) src(%dma_wait3A_44 : memref<10240x128xf32, #tpu.memory_space<vmem_shared>>) dst(%arg11 : memref<128x128xf32, #tpu.memory_space<vmem>>)
    "tpu.region"() ({
      %run_scoped3A_99 = tpu.sem_alloc : memref<!tpu.dma_semaphore, #tpu.memory_space<semaphore_mem>>
      %dma_start3A_100 = arith.constant 0 : i32
      %dma_start3A_101 = tpu.memref_slice %arg7[%arg0, %add3A_30, %dma_start3A_100] : memref<2x10240x128xf32, #tpu.memory_space<hbm>> -> memref<1x128x128xf32, #tpu.memory_space<hbm>>
      %dma_start3A_102 = tpu.memref_squeeze %dma_start3A_101 : memref<1x128x128xf32, #tpu.memory_space<hbm>> -> memref<128x128xf32, #tpu.memory_space<hbm>>
      %dma_start3A_103 = arith.constant 0 : i32
      %dma_start3A_104 = tpu.memref_slice %arg7[%arg0, %add3A_30, %dma_start3A_103] : memref<2x10240x128xf32, #tpu.memory_space<hbm>> -> memref<1x128x128xf32, #tpu.memory_space<hbm>>
      %dma_start3A_105 = tpu.memref_squeeze %dma_start3A_104 : memref<1x128x128xf32, #tpu.memory_space<hbm>> -> memref<128x128xf32, #tpu.memory_space<hbm>>
      tpu.enqueue_dma source(%arg11 : memref<128x128xf32, #tpu.memory_space<vmem>>) target(%dma_start3A_105 : memref<128x128xf32, #tpu.memory_space<hbm>>) target_semaphore(%run_scoped3A_99 : memref<!tpu.dma_semaphore, #tpu.memory_space<semaphore_mem>>)
      %dma_wait3A_106 = arith.constant 0 : i32
      %dma_wait3A_107 = tpu.memref_slice %arg7[%arg0, %add3A_30, %dma_wait3A_106] : memref<2x10240x128xf32, #tpu.memory_space<hbm>> -> memref<1x128x128xf32, #tpu.memory_space<hbm>>
      %dma_wait3A_108 = tpu.memref_squeeze %dma_wait3A_107 : memref<1x128x128xf32, #tpu.memory_space<hbm>> -> memref<128x128xf32, #tpu.memory_space<hbm>>
      %dma_wait3A_109 = arith.constant 0 : i32
      %dma_wait3A_110 = tpu.memref_slice %arg7[%arg0, %add3A_30, %dma_wait3A_109] : memref<2x10240x128xf32, #tpu.memory_space<hbm>> -> memref<1x128x128xf32, #tpu.memory_space<hbm>>
      %dma_wait3A_111 = tpu.memref_squeeze %dma_wait3A_110 : memref<1x128x128xf32, #tpu.memory_space<hbm>> -> memref<128x128xf32, #tpu.memory_space<hbm>>
      tpu.wait_dma2 semaphore(%run_scoped3A_99 : memref<!tpu.dma_semaphore, #tpu.memory_space<semaphore_mem>>) src(%arg11 : memref<128x128xf32, #tpu.memory_space<vmem>>) dst(%dma_wait3A_111 : memref<128x128xf32, #tpu.memory_space<hbm>>)
      tpu.yield
    }) : () -> ()
    %mul3A_45 = arith.constant 640 : i32
    %mul3A_46 = arith.muli %arg1, %mul3A_45 : i32
    %add3A_47 = arith.constant 256 : i32
    %add3A_48 = arith.addi %mul3A_46, %add3A_47 : i32
    %dma_start3A_49 = arith.constant 2 : i32
    %dma_start3A_50 = arith.constant 0 : i32
    %dma_start3A_51 = tpu.memref_slice %arg10[%dma_start3A_49, %dma_start3A_50] : memref<5x128xi32, #tpu.memory_space<vmem>> -> memref<1x128xi32, #tpu.memory_space<vmem>>
    %dma_start3A_52 = tpu.memref_squeeze %dma_start3A_51 : memref<1x128xi32, #tpu.memory_space<vmem>> -> memref<128xi32, #tpu.memory_space<vmem>>
    %dma_start3A_53 = arith.constant 0 : i32
    %dma_start3A_54 = arith.constant 0 : i32
    %dma_start3A_55 = tpu.memref_slice %arg13[%dma_start3A_53, %dma_start3A_54] : memref<10240x128xf32, #tpu.memory_space<vmem_shared>> -> memref<10240x128xf32, #tpu.memory_space<vmem_shared>>
    tpu.enqueue_indirect_dma source(%dma_start3A_55 : memref<10240x128xf32, #tpu.memory_space<vmem_shared>>) target(%arg11 : memref<128x128xf32, #tpu.memory_space<vmem>>) offsets(%dma_start3A_52 : memref<128xi32, #tpu.memory_space<vmem>>) semaphore(%arg14 : memref<!tpu.dma_semaphore, #tpu.memory_space<semaphore_mem>>)
    %dma_wait3A_56 = arith.constant 2 : i32
    %dma_wait3A_57 = arith.constant 0 : i32
    %dma_wait3A_58 = tpu.memref_slice %arg10[%dma_wait3A_56, %dma_wait3A_57] : memref<5x128xi32, #tpu.memory_space<vmem>> -> memref<1x128xi32, #tpu.memory_space<vmem>>
    %dma_wait3A_59 = tpu.memref_squeeze %dma_wait3A_58 : memref<1x128xi32, #tpu.memory_space<vmem>> -> memref<128xi32, #tpu.memory_space<vmem>>
    %dma_wait3A_60 = arith.constant 0 : i32
    %dma_wait3A_61 = arith.constant 0 : i32
    %dma_wait3A_62 = tpu.memref_slice %arg13[%dma_wait3A_60, %dma_wait3A_61] : memref<10240x128xf32, #tpu.memory_space<vmem_shared>> -> memref<10240x128xf32, #tpu.memory_space<vmem_shared>>
    tpu.wait_indirect_dma semaphore(%arg14 : memref<!tpu.dma_semaphore, #tpu.memory_space<semaphore_mem>>) src(%dma_wait3A_62 : memref<10240x128xf32, #tpu.memory_space<vmem_shared>>) dst(%arg11 : memref<128x128xf32, #tpu.memory_space<vmem>>)
    "tpu.region"() ({
      %run_scoped3A_99 = tpu.sem_alloc : memref<!tpu.dma_semaphore, #tpu.memory_space<semaphore_mem>>
      %dma_start3A_100 = arith.constant 0 : i32
      %dma_start3A_101 = tpu.memref_slice %arg7[%arg0, %add3A_48, %dma_start3A_100] : memref<2x10240x128xf32, #tpu.memory_space<hbm>> -> memref<1x128x128xf32, #tpu.memory_space<hbm>>
      %dma_start3A_102 = tpu.memref_squeeze %dma_start3A_101 : memref<1x128x128xf32, #tpu.memory_space<hbm>> -> memref<128x128xf32, #tpu.memory_space<hbm>>
      %dma_start3A_103 = arith.constant 0 : i32
      %dma_start3A_104 = tpu.memref_slice %arg7[%arg0, %add3A_48, %dma_start3A_103] : memref<2x10240x128xf32, #tpu.memory_space<hbm>> -> memref<1x128x128xf32, #tpu.memory_space<hbm>>
      %dma_start3A_105 = tpu.memref_squeeze %dma_start3A_104 : memref<1x128x128xf32, #tpu.memory_space<hbm>> -> memref<128x128xf32, #tpu.memory_space<hbm>>
      tpu.enqueue_dma source(%arg11 : memref<128x128xf32, #tpu.memory_space<vmem>>) target(%dma_start3A_105 : memref<128x128xf32, #tpu.memory_space<hbm>>) target_semaphore(%run_scoped3A_99 : memref<!tpu.dma_semaphore, #tpu.memory_space<semaphore_mem>>)
      %dma_wait3A_106 = arith.constant 0 : i32
      %dma_wait3A_107 = tpu.memref_slice %arg7[%arg0, %add3A_48, %dma_wait3A_106] : memref<2x10240x128xf32, #tpu.memory_space<hbm>> -> memref<1x128x128xf32, #tpu.memory_space<hbm>>
      %dma_wait3A_108 = tpu.memref_squeeze %dma_wait3A_107 : memref<1x128x128xf32, #tpu.memory_space<hbm>> -> memref<128x128xf32, #tpu.memory_space<hbm>>
      %dma_wait3A_109 = arith.constant 0 : i32
      %dma_wait3A_110 = tpu.memref_slice %arg7[%arg0, %add3A_48, %dma_wait3A_109] : memref<2x10240x128xf32, #tpu.memory_space<hbm>> -> memref<1x128x128xf32, #tpu.memory_space<hbm>>
      %dma_wait3A_111 = tpu.memref_squeeze %dma_wait3A_110 : memref<1x128x128xf32, #tpu.memory_space<hbm>> -> memref<128x128xf32, #tpu.memory_space<hbm>>
      tpu.wait_dma2 semaphore(%run_scoped3A_99 : memref<!tpu.dma_semaphore, #tpu.memory_space<semaphore_mem>>) src(%arg11 : memref<128x128xf32, #tpu.memory_space<vmem>>) dst(%dma_wait3A_111 : memref<128x128xf32, #tpu.memory_space<hbm>>)
      tpu.yield
    }) : () -> ()
    %mul3A_63 = arith.constant 640 : i32
    %mul3A_64 = arith.muli %arg1, %mul3A_63 : i32
    %add3A_65 = arith.constant 384 : i32
    %add3A_66 = arith.addi %mul3A_64, %add3A_65 : i32
    %dma_start3A_67 = arith.constant 3 : i32
    %dma_start3A_68 = arith.constant 0 : i32
    %dma_start3A_69 = tpu.memref_slice %arg10[%dma_start3A_67, %dma_start3A_68] : memref<5x128xi32, #tpu.memory_space<vmem>> -> memref<1x128xi32, #tpu.memory_space<vmem>>
    %dma_start3A_70 = tpu.memref_squeeze %dma_start3A_69 : memref<1x128xi32, #tpu.memory_space<vmem>> -> memref<128xi32, #tpu.memory_space<vmem>>
    %dma_start3A_71 = arith.constant 0 : i32
    %dma_start3A_72 = arith.constant 0 : i32
    %dma_start3A_73 = tpu.memref_slice %arg13[%dma_start3A_71, %dma_start3A_72] : memref<10240x128xf32, #tpu.memory_space<vmem_shared>> -> memref<10240x128xf32, #tpu.memory_space<vmem_shared>>
    tpu.enqueue_indirect_dma source(%dma_start3A_73 : memref<10240x128xf32, #tpu.memory_space<vmem_shared>>) target(%arg11 : memref<128x128xf32, #tpu.memory_space<vmem>>) offsets(%dma_start3A_70 : memref<128xi32, #tpu.memory_space<vmem>>) semaphore(%arg14 : memref<!tpu.dma_semaphore, #tpu.memory_space<semaphore_mem>>)
    %dma_wait3A_74 = arith.constant 3 : i32
    %dma_wait3A_75 = arith.constant 0 : i32
    %dma_wait3A_76 = tpu.memref_slice %arg10[%dma_wait3A_74, %dma_wait3A_75] : memref<5x128xi32, #tpu.memory_space<vmem>> -> memref<1x128xi32, #tpu.memory_space<vmem>>
    %dma_wait3A_77 = tpu.memref_squeeze %dma_wait3A_76 : memref<1x128xi32, #tpu.memory_space<vmem>> -> memref<128xi32, #tpu.memory_space<vmem>>
    %dma_wait3A_78 = arith.constant 0 : i32
    %dma_wait3A_79 = arith.constant 0 : i32
    %dma_wait3A_80 = tpu.memref_slice %arg13[%dma_wait3A_78, %dma_wait3A_79] : memref<10240x128xf32, #tpu.memory_space<vmem_shared>> -> memref<10240x128xf32, #tpu.memory_space<vmem_shared>>
    tpu.wait_indirect_dma semaphore(%arg14 : memref<!tpu.dma_semaphore, #tpu.memory_space<semaphore_mem>>) src(%dma_wait3A_80 : memref<10240x128xf32, #tpu.memory_space<vmem_shared>>) dst(%arg11 : memref<128x128xf32, #tpu.memory_space<vmem>>)
    "tpu.region"() ({
      %run_scoped3A_99 = tpu.sem_alloc : memref<!tpu.dma_semaphore, #tpu.memory_space<semaphore_mem>>
      %dma_start3A_100 = arith.constant 0 : i32
      %dma_start3A_101 = tpu.memref_slice %arg7[%arg0, %add3A_66, %dma_start3A_100] : memref<2x10240x128xf32, #tpu.memory_space<hbm>> -> memref<1x128x128xf32, #tpu.memory_space<hbm>>
      %dma_start3A_102 = tpu.memref_squeeze %dma_start3A_101 : memref<1x128x128xf32, #tpu.memory_space<hbm>> -> memref<128x128xf32, #tpu.memory_space<hbm>>
      %dma_start3A_103 = arith.constant 0 : i32
      %dma_start3A_104 = tpu.memref_slice %arg7[%arg0, %add3A_66, %dma_start3A_103] : memref<2x10240x128xf32, #tpu.memory_space<hbm>> -> memref<1x128x128xf32, #tpu.memory_space<hbm>>
      %dma_start3A_105 = tpu.memref_squeeze %dma_start3A_104 : memref<1x128x128xf32, #tpu.memory_space<hbm>> -> memref<128x128xf32, #tpu.memory_space<hbm>>
      tpu.enqueue_dma source(%arg11 : memref<128x128xf32, #tpu.memory_space<vmem>>) target(%dma_start3A_105 : memref<128x128xf32, #tpu.memory_space<hbm>>) target_semaphore(%run_scoped3A_99 : memref<!tpu.dma_semaphore, #tpu.memory_space<semaphore_mem>>)
      %dma_wait3A_106 = arith.constant 0 : i32
      %dma_wait3A_107 = tpu.memref_slice %arg7[%arg0, %add3A_66, %dma_wait3A_106] : memref<2x10240x128xf32, #tpu.memory_space<hbm>> -> memref<1x128x128xf32, #tpu.memory_space<hbm>>
      %dma_wait3A_108 = tpu.memref_squeeze %dma_wait3A_107 : memref<1x128x128xf32, #tpu.memory_space<hbm>> -> memref<128x128xf32, #tpu.memory_space<hbm>>
      %dma_wait3A_109 = arith.constant 0 : i32
      %dma_wait3A_110 = tpu.memref_slice %arg7[%arg0, %add3A_66, %dma_wait3A_109] : memref<2x10240x128xf32, #tpu.memory_space<hbm>> -> memref<1x128x128xf32, #tpu.memory_space<hbm>>
      %dma_wait3A_111 = tpu.memref_squeeze %dma_wait3A_110 : memref<1x128x128xf32, #tpu.memory_space<hbm>> -> memref<128x128xf32, #tpu.memory_space<hbm>>
      tpu.wait_dma2 semaphore(%run_scoped3A_99 : memref<!tpu.dma_semaphore, #tpu.memory_space<semaphore_mem>>) src(%arg11 : memref<128x128xf32, #tpu.memory_space<vmem>>) dst(%dma_wait3A_111 : memref<128x128xf32, #tpu.memory_space<hbm>>)
      tpu.yield
    }) : () -> ()
    %mul3A_81 = arith.constant 640 : i32
    %mul3A_82 = arith.muli %arg1, %mul3A_81 : i32
    %add3A_83 = arith.constant 512 : i32
    %add3A_84 = arith.addi %mul3A_82, %add3A_83 : i32
    %dma_start3A_85 = arith.constant 4 : i32
    %dma_start3A_86 = arith.constant 0 : i32
    %dma_start3A_87 = tpu.memref_slice %arg10[%dma_start3A_85, %dma_start3A_86] : memref<5x128xi32, #tpu.memory_space<vmem>> -> memref<1x128xi32, #tpu.memory_space<vmem>>
    %dma_start3A_88 = tpu.memref_squeeze %dma_start3A_87 : memref<1x128xi32, #tpu.memory_space<vmem>> -> memref<128xi32, #tpu.memory_space<vmem>>
    %dma_start3A_89 = arith.constant 0 : i32
    %dma_start3A_90 = arith.constant 0 : i32
    %dma_start3A_91 = tpu.memref_slice %arg13[%dma_start3A_89, %dma_start3A_90] : memref<10240x128xf32, #tpu.memory_space<vmem_shared>> -> memref<10240x128xf32, #tpu.memory_space<vmem_shared>>
    tpu.enqueue_indirect_dma source(%dma_start3A_91 : memref<10240x128xf32, #tpu.memory_space<vmem_shared>>) target(%arg11 : memref<128x128xf32, #tpu.memory_space<vmem>>) offsets(%dma_start3A_88 : memref<128xi32, #tpu.memory_space<vmem>>) semaphore(%arg14 : memref<!tpu.dma_semaphore, #tpu.memory_space<semaphore_mem>>)
    %dma_wait3A_92 = arith.constant 4 : i32
    %dma_wait3A_93 = arith.constant 0 : i32
    %dma_wait3A_94 = tpu.memref_slice %arg10[%dma_wait3A_92, %dma_wait3A_93] : memref<5x128xi32, #tpu.memory_space<vmem>> -> memref<1x128xi32, #tpu.memory_space<vmem>>
    %dma_wait3A_95 = tpu.memref_squeeze %dma_wait3A_94 : memref<1x128xi32, #tpu.memory_space<vmem>> -> memref<128xi32, #tpu.memory_space<vmem>>
    %dma_wait3A_96 = arith.constant 0 : i32
    %dma_wait3A_97 = arith.constant 0 : i32
    %dma_wait3A_98 = tpu.memref_slice %arg13[%dma_wait3A_96, %dma_wait3A_97] : memref<10240x128xf32, #tpu.memory_space<vmem_shared>> -> memref<10240x128xf32, #tpu.memory_space<vmem_shared>>
    tpu.wait_indirect_dma semaphore(%arg14 : memref<!tpu.dma_semaphore, #tpu.memory_space<semaphore_mem>>) src(%dma_wait3A_98 : memref<10240x128xf32, #tpu.memory_space<vmem_shared>>) dst(%arg11 : memref<128x128xf32, #tpu.memory_space<vmem>>)
    "tpu.region"() ({
      %run_scoped3A_99 = tpu.sem_alloc : memref<!tpu.dma_semaphore, #tpu.memory_space<semaphore_mem>>
      %dma_start3A_100 = arith.constant 0 : i32
      %dma_start3A_101 = tpu.memref_slice %arg7[%arg0, %add3A_84, %dma_start3A_100] : memref<2x10240x128xf32, #tpu.memory_space<hbm>> -> memref<1x128x128xf32, #tpu.memory_space<hbm>>
      %dma_start3A_102 = tpu.memref_squeeze %dma_start3A_101 : memref<1x128x128xf32, #tpu.memory_space<hbm>> -> memref<128x128xf32, #tpu.memory_space<hbm>>
      %dma_start3A_103 = arith.constant 0 : i32
      %dma_start3A_104 = tpu.memref_slice %arg7[%arg0, %add3A_84, %dma_start3A_103] : memref<2x10240x128xf32, #tpu.memory_space<hbm>> -> memref<1x128x128xf32, #tpu.memory_space<hbm>>
      %dma_start3A_105 = tpu.memref_squeeze %dma_start3A_104 : memref<1x128x128xf32, #tpu.memory_space<hbm>> -> memref<128x128xf32, #tpu.memory_space<hbm>>
      tpu.enqueue_dma source(%arg11 : memref<128x128xf32, #tpu.memory_space<vmem>>) target(%dma_start3A_105 : memref<128x128xf32, #tpu.memory_space<hbm>>) target_semaphore(%run_scoped3A_99 : memref<!tpu.dma_semaphore, #tpu.memory_space<semaphore_mem>>)
      %dma_wait3A_106 = arith.constant 0 : i32
      %dma_wait3A_107 = tpu.memref_slice %arg7[%arg0, %add3A_84, %dma_wait3A_106] : memref<2x10240x128xf32, #tpu.memory_space<hbm>> -> memref<1x128x128xf32, #tpu.memory_space<hbm>>
      %dma_wait3A_108 = tpu.memref_squeeze %dma_wait3A_107 : memref<1x128x128xf32, #tpu.memory_space<hbm>> -> memref<128x128xf32, #tpu.memory_space<hbm>>
      %dma_wait3A_109 = arith.constant 0 : i32
      %dma_wait3A_110 = tpu.memref_slice %arg7[%arg0, %add3A_84, %dma_wait3A_109] : memref<2x10240x128xf32, #tpu.memory_space<hbm>> -> memref<1x128x128xf32, #tpu.memory_space<hbm>>
      %dma_wait3A_111 = tpu.memref_squeeze %dma_wait3A_110 : memref<1x128x128xf32, #tpu.memory_space<hbm>> -> memref<128x128xf32, #tpu.memory_space<hbm>>
      tpu.wait_dma2 semaphore(%run_scoped3A_99 : memref<!tpu.dma_semaphore, #tpu.memory_space<semaphore_mem>>) src(%arg11 : memref<128x128xf32, #tpu.memory_space<vmem>>) dst(%dma_wait3A_111 : memref<128x128xf32, #tpu.memory_space<hbm>>)
      tpu.yield
    }) : () -> ()
    return
  }
}

module attributes {stable_mosaic.version = 14 : i64} {
  func.func @body(%arg0: i32, %arg1: memref<1x1x2048xi32, #tpu.memory_space<vmem>>, %arg2: memref<80x128xf32, #tpu.memory_space<vmem>>) attributes {dimension_semantics = [#tpu.dimension_semantics<arbitrary>], iteration_bounds = array<i64: 157>, scalar_prefetch = 0 : i64, scratch_operands = 0 : i64, tpu.core_type = #tpu.core_type<tc>, window_params = [{transform_indices = @transform_0, window_bounds = array<i64: 1, 1, 2048>}, {pipeline_mode = #tpu.pipeline_mode<synchronous>, transform_indices = @transform_1, window_bounds = array<i64: 80, 128>}]} {
    %eq3A = arith.constant 0 : i32
    %eq3A_0 = arith.cmpi eq, %arg0, %eq3A : i32
    %convert_element_type3A = arith.extui %eq3A_0 : i1 to i32
    %cond3A = arith.constant 0 : i32
    %cond3A_1 = arith.cmpi ne, %convert_element_type3A, %cond3A : i32
    scf.if %cond3A_1 {
      %broadcast_in_dim3A_28 = arith.constant 0.000000e+00 : f32
      %broadcast_in_dim3A_29 = vector.broadcast %broadcast_in_dim3A_28 : f32 to vector<80x128xf32>
      %swap3A_30 = arith.constant 0 : index
      %swap3A_31 = arith.constant 0 : index
      %swap3A_32 = vector.load %arg2[%swap3A_30, %swap3A_31] : memref<80x128xf32, #tpu.memory_space<vmem>>, vector<80x128xf32>
      tpu.vector_store %arg2[%swap3A_30, %swap3A_31], %broadcast_in_dim3A_29 {strides = array<i32>} : memref<80x128xf32, #tpu.memory_space<vmem>>, vector<80x128xf32>,
    } else {
    }
    %get3A = arith.constant 0 : index
    %get3A_2 = arith.constant 0 : index
    %get3A_3 = arith.constant 0 : index
    %get3A_4 = vector.load %arg1[%get3A, %get3A_2, %get3A_3] : memref<1x1x2048xi32, #tpu.memory_space<vmem>>, vector<1x1x2048xi32>
    %get3A_5 = vector.shape_cast %get3A_4 : vector<1x1x2048xi32> to vector<2048xi32>
    %shift_right_arithmetic3A = arith.constant 7 : i32
    %shift_right_arithmetic3A_6 = vector.broadcast %shift_right_arithmetic3A : i32 to vector<2048xi32>
    %shift_right_arithmetic3A_7 = arith.shrsi %get3A_5, %shift_right_arithmetic3A_6 : vector<2048xi32>
    %broadcast_in_dim3A = vector.shape_cast %shift_right_arithmetic3A_7 : vector<2048xi32> to vector<2048x1xi32>
    %and3A = arith.constant 127 : i32
    %and3A_8 = vector.broadcast %and3A : i32 to vector<2048xi32>
    %and3A_9 = arith.andi %get3A_5, %and3A_8 : vector<2048xi32>
    %broadcast_in_dim3A_10 = vector.shape_cast %and3A_9 : vector<2048xi32> to vector<2048x1xi32>
    %iota3A = tpu.iota {dimensions = array<i32: 1>} : vector<1x80xi32>
    %eq3A_11 = vector.broadcast %broadcast_in_dim3A : vector<2048x1xi32> to vector<2048x80xi32>
    %eq3A_12 = vector.broadcast %iota3A : vector<1x80xi32> to vector<2048x80xi32>
    %eq3A_13 = arith.cmpi eq, %eq3A_11, %eq3A_12 : vector<2048x80xi32>
    %convert_element_type3A_14 = arith.extui %eq3A_13 : vector<2048x80xi1> to vector<2048x80xi32>
    %convert_element_type3A_15 = arith.sitofp %convert_element_type3A_14 : vector<2048x80xi32> to vector<2048x80xf32>
    %iota3A_16 = tpu.iota {dimensions = array<i32: 1>} : vector<1x128xi32>
    %eq3A_17 = vector.broadcast %broadcast_in_dim3A_10 : vector<2048x1xi32> to vector<2048x128xi32>
    %eq3A_18 = vector.broadcast %iota3A_16 : vector<1x128xi32> to vector<2048x128xi32>
    %eq3A_19 = arith.cmpi eq, %eq3A_17, %eq3A_18 : vector<2048x128xi32>
    %convert_element_type3A_20 = arith.extui %eq3A_19 : vector<2048x128xi1> to vector<2048x128xi32>
    %convert_element_type3A_21 = arith.sitofp %convert_element_type3A_20 : vector<2048x128xi32> to vector<2048x128xf32>
    %get3A_22 = arith.constant 0 : index
    %get3A_23 = arith.constant 0 : index
    %get3A_24 = vector.load %arg2[%get3A_22, %get3A_23] : memref<80x128xf32, #tpu.memory_space<vmem>>, vector<80x128xf32>
    %dot_general3A = arith.constant dense<0.000000e+00> : vector<80x128xf32>
    %dot_general3A_25 = tpu.matmul %convert_element_type3A_15, %convert_element_type3A_21, %dot_general3A {dimension_numbers = #tpu.dot_dimension_numbers<[0], [0], [1], [1], [0, 1, 1, 1], [], []>, transpose_lhs_hint = false} : vector<2048x80xf32>, vector<2048x128xf32>, vector<80x128xf32> -> vector<80x128xf32>
    %add3A = arith.addf %get3A_24, %dot_general3A_25 : vector<80x128xf32>
    %swap3A = arith.constant 0 : index
    %swap3A_26 = arith.constant 0 : index
    %swap3A_27 = vector.load %arg2[%swap3A, %swap3A_26] : memref<80x128xf32, #tpu.memory_space<vmem>>, vector<80x128xf32>
    tpu.vector_store %arg2[%swap3A, %swap3A_26], %add3A {strides = array<i32>} : memref<80x128xf32, #tpu.memory_space<vmem>>, vector<80x128xf32>,
    return
  }
  func.func @transform_0(%arg0: i32) -> (i32, i32, i32) {
    %c0_i32 = arith.constant 0 : i32
    %c0_i32_0 = arith.constant 0 : i32
    %c0_i32_1 = arith.constant 0 : i32
    return %arg0, %c0_i32, %c0_i32_0 : i32, i32, i32
  }
  func.func @transform_1(%arg0: i32) -> (i32, i32) {
    %c0_i32 = arith.constant 0 : i32
    %c0_i32_0 = arith.constant 0 : i32
    %c0_i32_1 = arith.constant 0 : i32
    return %c0_i32, %c0_i32_0 : i32, i32
  }
}

module attributes {stable_mosaic.version = 14 : i64} {
  func.func @body(%arg0: i32, %arg1: memref<512x128xf32, #tpu.memory_space<vmem>>, %arg2: memref<2x512x128xf32, #tpu.memory_space<vmem>>, %arg3: memref<1x1x512xf32, #tpu.memory_space<vmem>>, %arg4: memref<256x128xf32, #tpu.memory_space<vmem>>, %arg5: memref<1x128xf32, #tpu.memory_space<vmem>>, %arg6: memref<512x128xf32, #tpu.memory_space<vmem>>) attributes {dimension_semantics = [#tpu.dimension_semantics<arbitrary>], iteration_bounds = array<i64: 20>, scalar_prefetch = 0 : i64, scratch_operands = 0 : i64, tpu.core_type = #tpu.core_type<tc>, window_params = [{transform_indices = @transform_0, window_bounds = array<i64: 512, 128>}, {transform_indices = @transform_1, window_bounds = array<i64: 2, 512, 128>}, {transform_indices = @transform_2, window_bounds = array<i64: 1, 1, 512>}, {pipeline_mode = #tpu.pipeline_mode<synchronous>, transform_indices = @transform_3, window_bounds = array<i64: 256, 128>}, {pipeline_mode = #tpu.pipeline_mode<synchronous>, transform_indices = @transform_4, window_bounds = array<i64: 1, 128>}, {transform_indices = @transform_5, window_bounds = array<i64: 512, 128>}]} {
    %get3A = arith.constant 0 : index
    %get3A_0 = arith.constant 0 : index
    %get3A_1 = arith.constant 0 : index
    %get3A_2 = vector.load %arg3[%get3A, %get3A_0, %get3A_1] : memref<1x1x512xf32, #tpu.memory_space<vmem>>, vector<1x1x512xf32>
    %get3A_3 = vector.shape_cast %get3A_2 : vector<1x1x512xf32> to vector<512xf32>
    %max3A = arith.constant 1.000000e+00 : f32
    %max3A_4 = vector.broadcast %max3A : f32 to vector<512xf32>
    %max3A_5 = arith.maximumf %get3A_3, %max3A_4 : vector<512xf32>
    %get3A_6 = arith.constant 0 : index
    %get3A_7 = arith.constant 0 : index
    %get3A_8 = arith.constant 0 : index
    %get3A_9 = vector.load %arg2[%get3A_6, %get3A_7, %get3A_8] : memref<2x512x128xf32, #tpu.memory_space<vmem>>, vector<1x512x128xf32>
    %get3A_10 = vector.shape_cast %get3A_9 : vector<1x512x128xf32> to vector<512x128xf32>
    %get3A_11 = arith.constant 1 : index
    %get3A_12 = arith.constant 0 : index
    %get3A_13 = arith.constant 0 : index
    %get3A_14 = vector.load %arg2[%get3A_11, %get3A_12, %get3A_13] : memref<2x512x128xf32, #tpu.memory_space<vmem>>, vector<1x512x128xf32>
    %get3A_15 = vector.shape_cast %get3A_14 : vector<1x512x128xf32> to vector<512x128xf32>
    %add3A = arith.addf %get3A_10, %get3A_15 : vector<512x128xf32>
    %broadcast_in_dim3A = vector.shape_cast %max3A_5 : vector<512xf32> to vector<512x1xf32>
    %div3A = vector.broadcast %broadcast_in_dim3A : vector<512x1xf32> to vector<512x128xf32>
    %div3A_16 = arith.divf %add3A, %div3A : vector<512x128xf32>
    %get3A_17 = arith.constant 0 : index
    %get3A_18 = arith.constant 0 : index
    %get3A_19 = vector.load %arg1[%get3A_17, %get3A_18] : memref<512x128xf32, #tpu.memory_space<vmem>>, vector<512x128xf32>
    %get3A_20 = arith.constant 0 : index
    %get3A_21 = arith.constant 0 : index
    %get3A_22 = vector.load %arg4[%get3A_20, %get3A_21] : memref<256x128xf32, #tpu.memory_space<vmem>>, vector<128x128xf32>
    %dot_general3A = arith.constant dense<0.000000e+00> : vector<512x128xf32>
    %dot_general3A_23 = tpu.matmul %get3A_19, %get3A_22, %dot_general3A {dimension_numbers = #tpu.dot_dimension_numbers<[1], [0], [0], [1], [0, 0, 1, 1], [], []>, precision = #tpu.contract_precision<fp32>, transpose_lhs_hint = false} : vector<512x128xf32>, vector<128x128xf32>, vector<512x128xf32> -> vector<512x128xf32>
    %get3A_24 = arith.constant 128 : index
    %get3A_25 = arith.constant 0 : index
    %get3A_26 = vector.load %arg4[%get3A_24, %get3A_25] : memref<256x128xf32, #tpu.memory_space<vmem>>, vector<128x128xf32>
    %dot_general3A_27 = arith.constant dense<0.000000e+00> : vector<512x128xf32>
    %dot_general3A_28 = tpu.matmul %div3A_16, %get3A_26, %dot_general3A_27 {dimension_numbers = #tpu.dot_dimension_numbers<[1], [0], [0], [1], [0, 0, 1, 1], [], []>, precision = #tpu.contract_precision<fp32>, transpose_lhs_hint = false} : vector<512x128xf32>, vector<128x128xf32>, vector<512x128xf32> -> vector<512x128xf32>
    %add3A_29 = arith.addf %dot_general3A_23, %dot_general3A_28 : vector<512x128xf32>
    %get3A_30 = arith.constant 0 : index
    %get3A_31 = arith.constant 0 : index
    %get3A_32 = vector.load %arg5[%get3A_30, %get3A_31] : memref<1x128xf32, #tpu.memory_space<vmem>>, vector<1x128xf32>
    %add3A_33 = vector.broadcast %get3A_32 : vector<1x128xf32> to vector<512x128xf32>
    %add3A_34 = arith.addf %add3A_29, %add3A_33 : vector<512x128xf32>
    %max3A_35 = arith.constant 0.000000e+00 : f32
    %max3A_36 = vector.broadcast %max3A_35 : f32 to vector<512x128xf32>
    %max3A_37 = arith.maximumf %add3A_34, %max3A_36 : vector<512x128xf32>
    %swap3A = arith.constant 0 : index
    %swap3A_38 = arith.constant 0 : index
    %swap3A_39 = vector.load %arg6[%swap3A, %swap3A_38] : memref<512x128xf32, #tpu.memory_space<vmem>>, vector<512x128xf32>
    tpu.vector_store %arg6[%swap3A, %swap3A_38], %max3A_37 {strides = array<i32>} : memref<512x128xf32, #tpu.memory_space<vmem>>, vector<512x128xf32>,
    return
  }
  func.func @transform_0(%arg0: i32) -> (i32, i32) {
    %c0_i32 = arith.constant 0 : i32
    %c0_i32_0 = arith.constant 0 : i32
    return %arg0, %c0_i32 : i32, i32
  }
  func.func @transform_1(%arg0: i32) -> (i32, i32, i32) {
    %c0_i32 = arith.constant 0 : i32
    %c0_i32_0 = arith.constant 0 : i32
    %c0_i32_1 = arith.constant 0 : i32
    return %c0_i32, %arg0, %c0_i32_0 : i32, i32, i32
  }
  func.func @transform_2(%arg0: i32) -> (i32, i32, i32) {
    %c0_i32 = arith.constant 0 : i32
    %c0_i32_0 = arith.constant 0 : i32
    %c0_i32_1 = arith.constant 0 : i32
    return %arg0, %c0_i32, %c0_i32_0 : i32, i32, i32
  }
  func.func @transform_3(%arg0: i32) -> (i32, i32) {
    %c0_i32 = arith.constant 0 : i32
    %c0_i32_0 = arith.constant 0 : i32
    %c0_i32_1 = arith.constant 0 : i32
    return %c0_i32, %c0_i32_0 : i32, i32
  }
  func.func @transform_4(%arg0: i32) -> (i32, i32) {
    %c0_i32 = arith.constant 0 : i32
    %c0_i32_0 = arith.constant 0 : i32
    %c0_i32_1 = arith.constant 0 : i32
    return %c0_i32, %c0_i32_0 : i32, i32
  }
  func.func @transform_5(%arg0: i32) -> (i32, i32) {
    %c0_i32 = arith.constant 0 : i32
    %c0_i32_0 = arith.constant 0 : i32
    return %arg0, %c0_i32 : i32, i32
  }
}

</mosaic_0001>

<sc_bundles>
// kernel: kernel.5.cloned.1.call-start
scs
__scs_entry_jumppad:
0x0: {  	(pc) =	sbr.rel $0x88, $3  }
0x1: {  	(tag) =	ssettag $0x0;
	lr =	simm.s32 $0x1  }
0x2: {  	[smem:$0x3F9D] =	sst lr;
	_ =	strace $0xD0000000  }
0x3: {  	_ = 	snop  }
0x4: {  	_ = 	snop  }
0x5: {  	_ = 	snop  }
0x6: {  	_ = 	snop  }
0x7: {  	_ = 	snop  }
__scs_overlays_trampoline_lowered:
0x8: {  	[smem:$0x3FAC] =	sst s0  }
0x9: {  	[smem:$0x3FAD] =	sst s1  }
0xa: {  	[smem:$0x3FAE] =	sst s2  }
0xb: {  	[smem:$0x3FAF] =	sst s3  }
0xc: {  	[smem:$0x3FB0] =	sst s4  }
0xd: {  	[smem:$0x3FB1] =	sst s5  }
0xe: {  	[smem:$0x3FB2] =	sst s6  }
0xf: {  	[smem:$0x3FB3] =	sst s7  }
0x10: {  	[smem:$0x3FB4] =	sst s8  }
0x11: {  	[smem:$0x3FB5] =	sst s9;
	s0 =	simm.s32 @!p0 $0x0  }
0x12: {  	s1 =	sld [smem:$0x3F9B];
	s0 =	simm.s32 @p0 $0x1  }
0x13: {  	[smem:$0x3FB6] =	sst s0;
	s0 =	simm.s32 @!p1 $0x0  }
0x14: {  	s2 =	sld [smem:$0x3F9A];
	s0 =	simm.s32 @p1 $0x1  }
0x15: {  	[smem:$0x3FB7] =	sst s0;
	s0 =	simm.s32 @!p2 $0x0  }
0x16: {  	s3 =	sld [smem:$0x3FDB];
	s0 =	simm.s32 @p2 $0x1  }
0x17: {  	s4 =	simm.s32 $0x1BF5;
	[smem:$0x3FB9] =	sst s0  }
0x18: {  	s0 =	sld [smem:$0x3F9C];
	_ =	swait.ge [sflag:s4], $0x0  }
0x19: {  	s7 =	sld [smem:$0x3F9D]  }
0x1a: {  	s8 =	sadd.s32 $0xFFFFE003, lr  }
0x1b: {  	s9 =	sadd.s32 $0xFFFFFEF7, lr;
	s5 =	simm.s32 $0xFFFFFFFF;
	p2 =	slt.u32 s8, $0xFFFFF086  }
0x1c: {  	p1 =	slt.u32 s9, $0xF7A;
	s5 =	simm.s32 @!p2 $0x0  }
0x1d: {  	s5 =	simm.s32 @p1 $0x1;
	p0 =	seq.s32 s7, s2  }
0x1e: {  	s7 =	smul.u32 @!p0 $0xF7A, s2;
	p2 =	seq.s32 @!p0 s5, $0x0  }
0x1f: {  	s9 =	smul.u32 $0xF7A, s1;
	s8 =	simm.s32 @!p0 $0x1BF5;
	p2 =	por !p2, p0  }
0x20: {  	[sflag:s8] =	ssyncset.s32 @!p0 $0xFFFFF086;
	s6 =	sadd.s32 @!p0 s3, s7;
	s7 =	simm.s32 @!p0 $0x108  }
0x21: {  	s3 =	sadd.s32 s3, s9;
	s6 =	sadd.s32 @!p0 $0x88, s6;
	s7 =	simm.s32 @p2 $0x1082  }
0x22: {  	[simem:s7], [sflag:s8] =	dma.local @!p0 [hbm:s6], $0xF7A  }
0x23: {  	s9 =	sor.u32 $0xD0000000, s2;
	s6 =	simm.s32 $0x108;
	_ =	swait.ge @!p0 [sflag:s8], $0x0  }
0x24: {  	s3 =	sadd.s32 $0x88, s3;
	s6 =	simm.s32 @!p1 $0x1082;
	[sflag:s4] =	ssyncset.s32 $0xFFFFF086  }
0x25: {  	[simem:s6], [sflag:s4] =	dma.local [hbm:s3], $0xF7A  }
0x26: {  	[smem:$0x3F9D] =	sst s1;
	(tag) =	ssettag s2;
	_ =	strace s9  }
0x27: {  	s1 =	sld [smem:$0x3FAD]  }
0x28: {  	s2 =	sld [smem:$0x3FAE]  }
0x29: {  	s4 =	sld [smem:$0x3FB0]  }
0x2a: {  	p0 =	seq.s32 s5, $0x0;
	s5 =	sld [smem:$0x3FB1]  }
0x2b: {  	s6 =	sld [smem:$0x3FB2]  }
0x2c: {  	s7 =	sld [smem:$0x3FB3]  }
0x2d: {  	s3 =	simm.s32 $0x108;
	s8 =	sld [smem:$0x3FB4]  }
0x2e: {  	s3 =	simm.s32 @!p0 $0x1082;
	s9 =	sld [smem:$0x3FB5]  }
0x2f: {  	lr =	sadd.s32 s0, s3;
	s0 =	sld [smem:$0x3FAC]  }
0x30: {  	s3 =	sld [smem:$0x3FAF]  }
0x31: {  	[smem:$0x3FB8] =	sst s10  }
0x32: {  	s10 =	sld [smem:$0x3FB6];
	_ =	sdelay $0x3  }
0x33: {  	p0 =	seq.s32 s10, $0x1;
	s10 =	sld [smem:$0x3FB8];
	_ =	sdelay $0x3  }
0x34: {  	[smem:$0x3FB8] =	sst s10  }
0x35: {  	s10 =	sld [smem:$0x3FB7];
	_ =	sdelay $0x3  }
0x36: {  	p1 =	seq.s32 s10, $0x1;
	s10 =	sld [smem:$0x3FB8];
	_ =	sdelay $0x3  }
0x37: {  	[smem:$0x3FB8] =	sst s10  }
0x38: {  	s10 =	sld [smem:$0x3FB9]  }
0x39: {  	_ = 	snop;
	(pc) =	sbr.ind lr, $3  }
0x3a: {  	_ = 	snop  }
0x3b: {  	_ = 	snop  }
0x3c: {  	p2 =	seq.s32 s10, $0x1;
	s10 =	sld [smem:$0x3FB8]  }
0x3d: {  	_ =	shalt  }
0x3e: {  	_ =	shalt  }
0x3f: {  	_ =	shalt  }
0x40: {  	_ =	shalt  }
0x41: {  	_ =	shalt  }
0x42: {  	_ =	shalt  }
0x43: {  	_ =	shalt  }
0x44: {  	_ =	shalt  }
0x45: {  	_ =	shalt  }
0x46: {  	_ =	shalt  }
0x47: {  	_ =	shalt  }
0x48: {  	_ =	shalt  }
0x49: {  	_ =	shalt  }
0x4a: {  	_ =	shalt  }
0x4b: {  	_ =	shalt  }
0x4c: {  	_ =	shalt  }
0x4d: {  	_ =	shalt  }
0x4e: {  	_ =	shalt  }
0x4f: {  	_ =	shalt  }
0x50: {  	_ =	shalt  }
0x51: {  	_ =	shalt  }
0x52: {  	_ =	shalt  }
0x53: {  	_ =	shalt  }
0x54: {  	_ =	shalt  }
0x55: {  	_ =	shalt  }
0x56: {  	_ =	shalt  }
0x57: {  	_ =	shalt  }
0x58: {  	_ =	shalt  }
0x59: {  	_ =	shalt  }
0x5a: {  	_ =	shalt  }
0x5b: {  	_ =	shalt  }
0x5c: {  	_ =	shalt  }
0x5d: {  	_ =	shalt  }
0x5e: {  	_ =	shalt  }
0x5f: {  	_ =	shalt  }
0x60: {  	_ =	shalt  }
0x61: {  	_ =	shalt  }
0x62: {  	_ =	shalt  }
0x63: {  	_ =	shalt  }
0x64: {  	_ =	shalt  }
0x65: {  	_ =	shalt  }
0x66: {  	_ =	shalt  }
0x67: {  	_ =	shalt  }
0x68: {  	_ =	shalt  }
0x69: {  	_ =	shalt  }
0x6a: {  	_ =	shalt  }
0x6b: {  	_ =	shalt  }
0x6c: {  	_ =	shalt  }
0x6d: {  	_ =	shalt  }
0x6e: {  	_ =	shalt  }
0x6f: {  	_ =	shalt  }
0x70: {  	_ =	shalt  }
0x71: {  	_ =	shalt  }
0x72: {  	_ =	shalt  }
0x73: {  	_ =	shalt  }
0x74: {  	_ =	shalt  }
0x75: {  	_ =	shalt  }
0x76: {  	_ =	shalt  }
0x77: {  	_ =	shalt  }
0x78: {  	_ =	shalt  }
0x79: {  	_ =	shalt  }
0x7a: {  	_ =	shalt  }
0x7b: {  	_ =	shalt  }
0x7c: {  	_ =	shalt  }
0x7d: {  	_ =	shalt  }
0x7e: {  	_ =	shalt  }
0x7f: {  	_ =	shalt  }
0x80: {  	_ =	shalt  }
0x81: {  	_ =	shalt  }
0x82: {  	_ =	shalt  }
0x83: {  	_ =	shalt  }
0x84: {  	_ =	shalt  }
0x85: {  	_ =	shalt  }
0x86: {  	_ =	shalt  }
0x87: {  	_ =	shalt  }
.Lfunc_end0:
.L_simem_size_0:
called_computation_lowered:
.L_overlay_start_0:
0x88: {  	s2 =	sld [smem:$0x3FD9]  }
0x89: {  	s3 =	sld [smem:$0x3FFE];
	_ =	sdelay $0x1  }
0x8a: {  	s1 =	srdreg.scid  }
0x8b: {  	s0 =	sand.u32 $0x1, s1  }
0x8c: {  	s17 =	sshll.u32 s0, $0xA;
	s2 =	sadd.s32 s3, s2  }
0x8d: {  	s2 =	sadd.s32 s2, s17  }
0x8e: {  	[smem:$0x3FC4] =	sst s2  }
0x8f: {  	_ = 	snop  }
0x90: {  	s2 =	sld [smem:$0x3FC8]  }
0x91: {  	s18 =	sld [smem:$0x3FD0];
	(tm) =	ssettm $0x1  }
0x92: {  	s4 =	sld [smem:$0x3FFB];
	_ =	sdelay $0x3  }
0x93: {  	_ =	strace s4  }
0x94: {  	s4 =	sld [smem:$0x3FFC];
	_ =	sdelay $0x3  }
0x95: {  	_ =	strace s4  }
0x96: {  	s4 =	sld [smem:$0x3FFD];
	_ =	sdelay $0x3  }
0x97: {  	_ =	strace s4  }
0x98: {  	_ =	strace $0x8FFFFFFF  }
0x99: {  	s19 =	sld [smem:$0x3FDB];
	_ =	sdelay $0x1  }
0x9a: {  	s5 =	simm.s32 $_scs_section_size  }
0x9b: {  	s6 =	simm.s32 $_size__tile_overlayer_lowered;
	s7 =	simm.s32 $_tile_overlayer_lowered  }
0x9c: {  	s22 =	simm.s32 $0x1BFF;
	s21 =	sshll.u32 s7, $0x1;
	s4 =	sadd.s32 s5, s19  }
0x9d: {  	s8 =	simm.s32 $0x0;
	s20 =	sshll.u32 s6, $0x1;
	s6 =	sadd.s32 s21, s4  }
0x9e: {  	[timem:s8], [sflag:s22] =	dma.local [hbm:s6], s20  }
0x9f: {  	_ =	swait.ge [sflag:s22], s20  }
0xa0: {  	s5 =	ssub.s32 $0x0, s20;
	[sflag:s22] =	ssyncset.done $0x0  }
0xa1: {  	[sflag:s22] =	ssyncadd.s32 s5;
	_ =	sdelay $0x1  }
0xa2: {  	s23 =	simm.s32 $0x1B8B  }
0xa3: {  	_ =	swait.ge [sflag:s23], $0x1  }
0xa4: {  	[sflag:s23] =	ssyncset.done $0x0  }
0xa5: {  	s25 =	simm.s32 $0x1B8E;
	s24 =	sld [smem:$0x3FFE];
	[sflag:s23] =	ssyncadd.s32 $0xFFFFFFFF  }
0xa6: {  	s26 =	simm.s32 $execute0_lowered;
	[smem:$0x3FD2] =	sst s25  }
0xa7: {  	s6 =	sshll.u32 s26, $0x1;
	_ =	strace $0x80000046;
	[dreg:$0x1] =	wrdreg $0xFFFFFFFF  }
0xa8: {  	s28 =	simm.s32 $_size_execute0_lowered;
	s4 =	sadd.s32 s4, s6;
	[dreg:$0x0] =	wrdreg $0x0  }
0xa9: {  	s6 =	sshll.u32 s28, $0x1;
	[dreg:$0x2] =	wrdreg s4  }
0xaa: {  	[dreg:$0x3] =	wrdreg s6  }
0xab: {  	[dreg:$0x4] =	wrdreg $0xC0  }
0xac: {  	_ =	task [dreg:s8], $0x5FFFF  }
0xad: {  	[dreg:$0x1] =	wrdreg $0xFFFFFFFF  }
0xae: {  	[dreg:$0x0] =	wrdreg $0x60  }
0xaf: {  	[dreg:$0x2] =	wrdreg s18  }
0xb0: {  	[dreg:$0x3] =	wrdreg s24  }
0xb1: {  	[dreg:$0x4] =	wrdreg s2  }
0xb2: {  	[dreg:$0x5] =	wrdreg $0x94000  }
0xb3: {  	[dreg:$0x6] =	wrdreg $0x9  }
0xb4: {  	_ =	task.clear_ibuf [dreg:s8], $0x7FFFF;
	_ =	strace $0x90000046  }
0xb5: {  	s29 =	simm.s32 $0x9;
	_ =	strace $0x80000048  }
0xb6: {  	_ =	swait.ge [sflag:s29], $0x1  }
0xb7: {  	[sflag:s29] =	ssyncadd.s32 $0xFFFFFFFF  }
0xb8: {  	_ =	strace $0x90000048  }
0xb9: {  	_ =	sfence  }
0xba: {  	s30 =	sld [smem:$0x0];
	_ =	sdelay $0x2  }
0xbb: {  	s31 =	sshll.u32 s1, $0xD;
	s1 =	sshrl.u32 s1, $0x2  }
0xbc: {  	s3 =	sand.u32 $0x4000, s31;
	s1 =	sadd.s32 s1, s30  }
0xbd: {  	s0 =	sor.u32 s3, s0;
	s1 =	sshll.u32 s1, $0x11  }
0xbe: {  	s0 =	sor.u32 s1, s0  }
0xbf: {  	s0 =	sadd.s32 $0x8F2B, s0  }
0xc0: {  	[sflag:s0] =	ssyncadd.remote.s32 $0x1  }
0xc1: {  	_ =	sfence.sel $0xFFFF  }
0xc2: {  	[dreg:$0x0] =	wrdreg $0xFFFFFFFF;
	(pc) =	sbr.abs _section_cstart, $3  }
0xc3: {  	[dreg:$0x1] =	wrdreg $0xFFFFFFFF  }
0xc4: {  	_ =	task.clear_ibuf [dreg:s8], $0x2FFFF;
	_ =	strace $0x9FFFFFFF  }
0xc5: {  	(tm) =	ssettm $0x7FFFFFFF  }
tec
execute0_lowered:
.L_overlay_start_1:
0x0: {  	(tag) =	ssettag $0x1  }
0x1: {  	s0 =	rddreg [dreg:$0x0]  }
0x2: {  	s1 =	rddreg [dreg:$0x1];
	s3 =	srdreg.scid  }
0x3: {  	s10 =	stileid.u32;
	s2 =	rddreg [dreg:$0x2]  }
0x4: {  	s4 =	simm.s32 $0x0;
	s13 =	simm.s32 $0x100;
	s15 =	simm.s32 $0x880  }
0x5: {  	s20 =	simm.s32 $0x1000;
	s16 =	simm.s32 $0x180;
	s17 =	simm.s32 $0x900  }
0x6: {  	s18 =	simm.s32 $0x200;
	s5 =	sand.u32 $0x1, s3;
	s3 =	rddreg [dreg:$0x3]  }
0x7: {  	s19 =	simm.s32 $0x980;
	[smem:$0x7FF] =	sst s4;
	s23 =	sadd.s32 $0xB200, s1  }
0x8: {  	s28 =	simm.s32 $0x480;
	_ =	strace $0x80000047;
	[dreg:$0x13] =	wrdreg s23  }
0x9: {  	s29 =	simm.s32 $0xC00;
	s6 =	smul.u32 $0x5000, s10;
	[dreg:$0x7] =	wrdreg s13  }
0xa: {  	s30 =	simm.s32 $0x500;
	s21 =	smul.u32 $0x14000, s10;
	[dreg:$0x8] =	wrdreg s15  }
0xb: {  	s31 =	simm.s32 $0xC80;
	s7 =	smul.u32 $0x2800, s5;
	[dreg:$0x9] =	wrdreg s16  }
0xc: {  	s10 =	sshll.u32 s10, $0x7;
	s8 =	smul.u32 $0x140000, s5;
	[dreg:$0xa] =	wrdreg s17  }
0xd: {  	s22 =	sadd.s32 s10, s1;
	s5 =	ssub.s32 $0x2, s5;
	[dreg:$0xb] =	wrdreg s18  }
0xe: {  	s15 =	simm.s32 $0x1400;
	s16 =	simm.s32 $0x80;
	[dreg:$0xc] =	wrdreg s19  }
0xf: {  	s19 =	simm.s32 $0x1180;
	s23 =	simm.s32 $0x300;
	s18 =	simm.s32 $0x1200  }
0x10: {  	s17 =	simm.s32 $0xF80;
	s13 =	simm.s32 $0x0;
	s24 =	sshrl.u32 s5, $0x1  }
0x11: {  	s25 =	sadd.s32 $0xA00, s22;
	s22 =	simm.s32 $0xA00;
	[dreg:$0xf] =	wrdreg s23  }
0x12: {  	s23 =	simm.s32 $0x5400;
	[dreg:$0x1b] =	wrdreg s13;
	s6 =	sadd.s32 s7, s6  }
0x13: {  	s7 =	sadd.s32 s21, s8;
	s5 =	ssub.s32 s5, s24;
	[dreg:$0x14] =	wrdreg s25  }
0x14: {  	s21 =	simm.s32 $0x280;
	[dreg:$0xe] =	wrdreg s22;
	s24 =	simm.s32 $0xA80  }
0x15: {  	s25 =	simm.s32 $0x380;
	s22 =	simm.s32 $0x1;
	[dreg:$0xd] =	wrdreg s21  }
0x16: {  	s6 =	sshrl.u32 s6, $0x3;
	s7 =	sshrl.u32 s7, $0x3;
	[dreg:$0x10] =	wrdreg s24  }
0x17: {  	s14 =	smax.u32 s5, $0x1;
	s21 =	simm.s32 $0x800;
	[dreg:$0x11] =	wrdreg s25  }
0x18: {  	s24 =	simm.s32 $0x2;
	s25 =	simm.s32 $0x400;
	s9 =	sadd.s32 s6, s1  }
0x19: {  	s1 =	sadd.s32 s7, s1;
	s0 =	sadd.s32 s6, s0;
	[dreg:$0x1a] =	wrdreg s14  }
0x1a: {  	s5 =	simm.s32 $0x600;
	s26 =	sadd.s32 $0xBA00, s1;
	[dreg:$0x6] =	wrdreg s0  }
0x1b: {  	s14 =	simm.s32 $0x3;
	s8 =	sadd.s32 $0xC200, s1;
	[dreg:$0x15] =	wrdreg s26  }
0x1c: {  	s6 =	simm.s32 $0xD80;
	s10 =	sadd.s32 $0xCA00, s1;
	[dreg:$0x16] =	wrdreg s8  }
0x1d: {  	s7 =	simm.s32 $0x680;
	s12 =	sadd.s32 $0xD200, s1;
	[dreg:$0x17] =	wrdreg s10  }
0x1e: {  	s11 =	sadd.s32 $0x1200, s9;
	s1 =	sadd.s32 $0xDA00, s1;
	[dreg:$0x18] =	wrdreg s12  }
0x1f: {  	s0 =	simm.s32 $0xD00;
	s9 =	simm.s32 $0x700;
	[dreg:$0x5] =	wrdreg s11  }
0x20: {  	[dreg:$0x19] =	wrdreg s1;
	s26 =	simm.s32 $0xB00;
	s1 =	simm.s32 $0x580  }
0x21: {  	s8 =	simm.s32 $0xE00;
	s10 =	simm.s32 $0xE80;
	s11 =	simm.s32 $0x780  }
0x22: {  	s12 =	simm.s32 $0xF00;
	[dreg:$0x12] =	wrdreg s26;
	s26 =	simm.s32 $0xB80  }
.LBB2_1:
0x23: {  	s13 =	rddreg [dreg:$0x14]  }
0x24: {  	[tilespmem:s20], [sflag:$0x3] =	stream.linear.gather [hbm4b:s13+s4], $0x280, $0x38;
	[tilespmem:$0x1D400] =	vst v63  }
0x25: {  	_ =	swait.ge [sflag:s14], $0x280  }
0x26: {  	[sflag:s14] =	ssyncset.done $0x0  }
0x27: {  	s13 =	rddreg [dreg:$0x13];
	[sflag:s14] =	ssyncadd.s32 $0xFFFFFD80  }
0x28: {  	[tilespmem:s15], [sflag:$0x3] =	stream.linear.gather [hbm4b:s13+s4], $0x4000, $0x38;
	[tilespmem:$0x1D400] =	vst v63  }
0x29: {  	_ =	swait.ge [sflag:s14], $0x4000  }
0x2a: {  	[sflag:s14] =	ssyncset.done $0x0  }
0x2b: {  	[sflag:s14] =	ssyncadd.s32 $0xFFFFC000  }
0x2c: {  	[spmem:s3] =	stream.indirect.scatter [tilespmem:s15], [sflag:$0x3], $0x80, s20, s16, $0xb8;
	[tilespmem:$0x1D400] =	vst v63  }
0x2d: {  	_ =	swait.ge [sflag:s14], $0x4000  }
0x2e: {  	[sflag:s14] =	ssyncset.done $0x0  }
0x2f: {  	s20 =	simm.s32 $0x1080;
	[sflag:s14] =	ssyncadd.s32 $0xFFFFC000  }
0x30: {  	[spmem:s3] =	stream.indirect.scatter [tilespmem:s15], [sflag:$0x3], $0x80, s20, s16, $0xb8;
	[tilespmem:$0x1D400] =	vst v63  }
0x31: {  	_ =	swait.ge [sflag:s14], $0x4000  }
0x32: {  	[sflag:s14] =	ssyncset.done $0x0  }
0x33: {  	s20 =	simm.s32 $0x1100;
	[sflag:s14] =	ssyncadd.s32 $0xFFFFC000  }
0x34: {  	[spmem:s3] =	stream.indirect.scatter [tilespmem:s15], [sflag:$0x3], $0x80, s20, s16, $0xb8;
	[tilespmem:$0x1D400] =	vst v63  }
0x35: {  	_ =	swait.ge [sflag:s14], $0x4000  }
0x36: {  	[sflag:s14] =	ssyncset.done $0x0  }
0x37: {  	[sflag:s14] =	ssyncadd.s32 $0xFFFFC000  }
0x38: {  	[spmem:s3] =	stream.indirect.scatter [tilespmem:s15], [sflag:$0x3], $0x80, s19, s16, $0xb8;
	[tilespmem:$0x1D400] =	vst v63  }
0x39: {  	_ =	swait.ge [sflag:s14], $0x4000  }
0x3a: {  	[sflag:s14] =	ssyncset.done $0x0  }
0x3b: {  	[sflag:s14] =	ssyncadd.s32 $0xFFFFC000  }
0x3c: {  	[spmem:s3] =	stream.indirect.scatter [tilespmem:s15], [sflag:$0x3], $0x80, s18, s16, $0xb8;
	[tilespmem:$0x1D400] =	vst v63  }
0x3d: {  	_ =	swait.ge [sflag:s14], $0x4000  }
0x3e: {  	[sflag:s14] =	ssyncset.done $0x0  }
0x3f: {  	[sflag:s14] =	ssyncadd.s32 $0xFFFFC000  }
0x40: {  	[bflag:$0x0] =	sbarrier.arrive $0xFFFF  }
0x41: {  	s18 =	rddreg [dreg:$0x6]  }
0x42: {  	s13 =	sadd.s32 $0x0, s18  }
0x43: {  	[tilespmem:s4], [sflag:$0x3] =	stream.linear.gather [hbm4b:s13+s4], $0x800, $0x38;
	[tilespmem:$0x1D400] =	vst v63  }
0x44: {  	_ =	swait.ge [sflag:s14], $0x800  }
0x45: {  	s19 =	rddreg [dreg:$0x5];
	[sflag:s14] =	ssyncset.done $0x0  }
0x46: {  	[sflag:s14] =	ssyncadd.s32 $0xFFFFF800;
	s13 =	sadd.s32 $0x0, s19  }
0x47: {  	[tilespmem:s21], [sflag:$0x3] =	stream.linear.gather [hbm4b:s13+s4], $0x800, $0x38;
	[tilespmem:$0x1D400] =	vst v63  }
0x48: {  	_ =	swait.ge [sflag:s14], $0x800  }
0x49: {  	[sflag:s14] =	ssyncset.done $0x0  }
0x4a: {  	[sflag:s14] =	ssyncadd.s32 $0xFFFFF800  }
0x4b: {  	[tilespmem:s15], [sflag:$0x1] =	stream.indirect.gather [hbm4b:s2+s16], $0x80, s4, s16, $0xb8;
	[tilespmem:$0x1D400] =	vst v63  }
0x4c: {  	_ =	swait.ge [sflag:s22], $0x4000  }
0x4d: {  	[sflag:s22] =	ssyncset.done $0x0  }
0x4e: {  	[sflag:s22] =	ssyncadd.s32 $0xFFFFC000  }
0x4f: {  	[tilespmem:s23], [sflag:$0x2] =	stream.indirect.gather [hbm4b:s2+s16], $0x80, s16, s16, $0xb8;
	[tilespmem:$0x1D400] =	vst v63  }
0x50: {  	_ = 	snop  }
0x51: {  	[spmem:s3] =	stream.indirect.scatter.add.f32 [tilespmem:s15], [sflag:$0x3], $0x80, s21, s16, $0xb8;
	[tilespmem:$0x1D400] =	vst v63  }
0x52: {  	_ =	swait.ge [sflag:s14], $0x4000  }
0x53: {  	[sflag:s14] =	ssyncset.done $0x0  }
0x54: {  	[sflag:s14] =	ssyncadd.s32 $0xFFFFC000  }
0x55: {  	_ =	swait.ge [sflag:s24], $0x4000  }
0x56: {  	[sflag:s24] =	ssyncset.done $0x0  }
0x57: {  	s20 =	rddreg [dreg:$0x7];
	[sflag:s24] =	ssyncadd.s32 $0xFFFFC000  }
0x58: {  	[tilespmem:s15], [sflag:$0x1] =	stream.indirect.gather [hbm4b:s2+s16], $0x80, s20, s16, $0xb8;
	[tilespmem:$0x1D400] =	vst v63  }
0x59: {  	s18 =	rddreg [dreg:$0x8]  }
0x5a: {  	[spmem:s3] =	stream.indirect.scatter.add.f32 [tilespmem:s23], [sflag:$0x3], $0x80, s18, s16, $0xb8;
	[tilespmem:$0x1D400] =	vst v63  }
0x5b: {  	_ =	swait.ge [sflag:s14], $0x4000  }
0x5c: {  	[sflag:s14] =	ssyncset.done $0x0  }
0x5d: {  	[sflag:s14] =	ssyncadd.s32 $0xFFFFC000  }
0x5e: {  	_ =	swait.ge [sflag:s22], $0x4000  }
0x5f: {  	[sflag:s22] =	ssyncset.done $0x0  }
0x60: {  	s20 =	rddreg [dreg:$0x9];
	[sflag:s22] =	ssyncadd.s32 $0xFFFFC000  }
0x61: {  	[tilespmem:s23], [sflag:$0x2] =	stream.indirect.gather [hbm4b:s2+s16], $0x80, s20, s16, $0xb8;
	[tilespmem:$0x1D400] =	vst v63  }
0x62: {  	s18 =	rddreg [dreg:$0xa]  }
0x63: {  	[spmem:s3] =	stream.indirect.scatter.add.f32 [tilespmem:s15], [sflag:$0x3], $0x80, s18, s16, $0xb8;
	[tilespmem:$0x1D400] =	vst v63  }
0x64: {  	_ =	swait.ge [sflag:s14], $0x4000  }
0x65: {  	[sflag:s14] =	ssyncset.done $0x0  }
0x66: {  	[sflag:s14] =	ssyncadd.s32 $0xFFFFC000  }
0x67: {  	_ =	swait.ge [sflag:s24], $0x4000  }
0x68: {  	[sflag:s24] =	ssyncset.done $0x0  }
0x69: {  	s20 =	rddreg [dreg:$0xb];
	[sflag:s24] =	ssyncadd.s32 $0xFFFFC000  }
0x6a: {  	[tilespmem:s15], [sflag:$0x1] =	stream.indirect.gather [hbm4b:s2+s16], $0x80, s20, s16, $0xb8;
	[tilespmem:$0x1D400] =	vst v63  }
0x6b: {  	s18 =	rddreg [dreg:$0xc]  }
0x6c: {  	[spmem:s3] =	stream.indirect.scatter.add.f32 [tilespmem:s23], [sflag:$0x3], $0x80, s18, s16, $0xb8;
	[tilespmem:$0x1D400] =	vst v63  }
0x6d: {  	_ =	swait.ge [sflag:s14], $0x4000  }
0x6e: {  	[sflag:s14] =	ssyncset.done $0x0  }
0x6f: {  	[sflag:s14] =	ssyncadd.s32 $0xFFFFC000  }
0x70: {  	_ =	swait.ge [sflag:s22], $0x4000  }
0x71: {  	[sflag:s22] =	ssyncset.done $0x0  }
0x72: {  	s20 =	rddreg [dreg:$0xd];
	[sflag:s22] =	ssyncadd.s32 $0xFFFFC000  }
0x73: {  	[tilespmem:s23], [sflag:$0x2] =	stream.indirect.gather [hbm4b:s2+s16], $0x80, s20, s16, $0xb8;
	[tilespmem:$0x1D400] =	vst v63  }
0x74: {  	s18 =	rddreg [dreg:$0xe]  }
0x75: {  	[spmem:s3] =	stream.indirect.scatter.add.f32 [tilespmem:s15], [sflag:$0x3], $0x80, s18, s16, $0xb8;
	[tilespmem:$0x1D400] =	vst v63  }
0x76: {  	_ =	swait.ge [sflag:s14], $0x4000  }
0x77: {  	[sflag:s14] =	ssyncset.done $0x0  }
0x78: {  	[sflag:s14] =	ssyncadd.s32 $0xFFFFC000  }
0x79: {  	_ =	swait.ge [sflag:s24], $0x4000  }
0x7a: {  	[sflag:s24] =	ssyncset.done $0x0  }
0x7b: {  	s20 =	rddreg [dreg:$0xf];
	[sflag:s24] =	ssyncadd.s32 $0xFFFFC000  }
0x7c: {  	[tilespmem:s15], [sflag:$0x1] =	stream.indirect.gather [hbm4b:s2+s16], $0x80, s20, s16, $0xb8;
	[tilespmem:$0x1D400] =	vst v63  }
0x7d: {  	s18 =	rddreg [dreg:$0x10]  }
0x7e: {  	[spmem:s3] =	stream.indirect.scatter.add.f32 [tilespmem:s23], [sflag:$0x3], $0x80, s18, s16, $0xb8;
	[tilespmem:$0x1D400] =	vst v63  }
0x7f: {  	_ =	swait.ge [sflag:s14], $0x4000  }
0x80: {  	[sflag:s14] =	ssyncset.done $0x0  }
0x81: {  	[sflag:s14] =	ssyncadd.s32 $0xFFFFC000  }
0x82: {  	_ =	swait.ge [sflag:s22], $0x4000  }
0x83: {  	[sflag:s22] =	ssyncset.done $0x0  }
0x84: {  	s19 =	rddreg [dreg:$0x11];
	[sflag:s22] =	ssyncadd.s32 $0xFFFFC000  }
0x85: {  	[tilespmem:s23], [sflag:$0x2] =	stream.indirect.gather [hbm4b:s2+s16], $0x80, s19, s16, $0xb8;
	[tilespmem:$0x1D400] =	vst v63  }
0x86: {  	s20 =	rddreg [dreg:$0x12]  }
0x87: {  	[spmem:s3] =	stream.indirect.scatter.add.f32 [tilespmem:s15], [sflag:$0x3], $0x80, s20, s16, $0xb8;
	[tilespmem:$0x1D400] =	vst v63  }
0x88: {  	_ =	swait.ge [sflag:s14], $0x4000  }
0x89: {  	[sflag:s14] =	ssyncset.done $0x0  }
0x8a: {  	[sflag:s14] =	ssyncadd.s32 $0xFFFFC000  }
0x8b: {  	_ =	swait.ge [sflag:s24], $0x4000  }
0x8c: {  	[sflag:s24] =	ssyncset.done $0x0  }
0x8d: {  	[sflag:s24] =	ssyncadd.s32 $0xFFFFC000  }
0x8e: {  	[tilespmem:s15], [sflag:$0x1] =	stream.indirect.gather [hbm4b:s2+s16], $0x80, s25, s16, $0xb8;
	[tilespmem:$0x1D400] =	vst v63  }
0x8f: {  	_ = 	snop  }
0x90: {  	[spmem:s3] =	stream.indirect.scatter.add.f32 [tilespmem:s23], [sflag:$0x3], $0x80, s26, s16, $0xb8;
	[tilespmem:$0x1D400] =	vst v63  }
0x91: {  	_ =	swait.ge [sflag:s14], $0x4000  }
0x92: {  	[sflag:s14] =	ssyncset.done $0x0  }
0x93: {  	[sflag:s14] =	ssyncadd.s32 $0xFFFFC000  }
0x94: {  	_ =	swait.ge [sflag:s22], $0x4000  }
0x95: {  	[sflag:s22] =	ssyncset.done $0x0  }
0x96: {  	[sflag:s22] =	ssyncadd.s32 $0xFFFFC000  }
0x97: {  	[tilespmem:s23], [sflag:$0x2] =	stream.indirect.gather [hbm4b:s2+s16], $0x80, s28, s16, $0xb8;
	[tilespmem:$0x1D400] =	vst v63  }
0x98: {  	_ = 	snop  }
0x99: {  	[spmem:s3] =	stream.indirect.scatter.add.f32 [tilespmem:s15], [sflag:$0x3], $0x80, s29, s16, $0xb8;
	[tilespmem:$0x1D400] =	vst v63  }
0x9a: {  	_ =	swait.ge [sflag:s14], $0x4000  }
0x9b: {  	[sflag:s14] =	ssyncset.done $0x0  }
0x9c: {  	[sflag:s14] =	ssyncadd.s32 $0xFFFFC000  }
0x9d: {  	_ =	swait.ge [sflag:s24], $0x4000  }
0x9e: {  	[sflag:s24] =	ssyncset.done $0x0  }
0x9f: {  	[sflag:s24] =	ssyncadd.s32 $0xFFFFC000  }
0xa0: {  	[tilespmem:s15], [sflag:$0x1] =	stream.indirect.gather [hbm4b:s2+s16], $0x80, s30, s16, $0xb8;
	[tilespmem:$0x1D400] =	vst v63  }
0xa1: {  	_ = 	snop  }
0xa2: {  	[spmem:s3] =	stream.indirect.scatter.add.f32 [tilespmem:s23], [sflag:$0x3], $0x80, s31, s16, $0xb8;
	[tilespmem:$0x1D400] =	vst v63  }
0xa3: {  	_ =	swait.ge [sflag:s14], $0x4000  }
0xa4: {  	[sflag:s14] =	ssyncset.done $0x0  }
0xa5: {  	[sflag:s14] =	ssyncadd.s32 $0xFFFFC000  }
0xa6: {  	_ =	swait.ge [sflag:s22], $0x4000  }
0xa7: {  	[sflag:s22] =	ssyncset.done $0x0  }
0xa8: {  	[sflag:s22] =	ssyncadd.s32 $0xFFFFC000  }
0xa9: {  	[tilespmem:s23], [sflag:$0x2] =	stream.indirect.gather [hbm4b:s2+s16], $0x80, s1, s16, $0xb8;
	[tilespmem:$0x1D400] =	vst v63  }
0xaa: {  	_ = 	snop  }
0xab: {  	[spmem:s3] =	stream.indirect.scatter.add.f32 [tilespmem:s15], [sflag:$0x3], $0x80, s0, s16, $0xb8;
	[tilespmem:$0x1D400] =	vst v63  }
0xac: {  	_ =	swait.ge [sflag:s14], $0x4000  }
0xad: {  	[sflag:s14] =	ssyncset.done $0x0  }
0xae: {  	[sflag:s14] =	ssyncadd.s32 $0xFFFFC000  }
0xaf: {  	_ =	swait.ge [sflag:s24], $0x4000  }
0xb0: {  	[sflag:s24] =	ssyncset.done $0x0  }
0xb1: {  	[sflag:s24] =	ssyncadd.s32 $0xFFFFC000  }
0xb2: {  	[tilespmem:s15], [sflag:$0x1] =	stream.indirect.gather [hbm4b:s2+s16], $0x80, s5, s16, $0xb8;
	[tilespmem:$0x1D400] =	vst v63  }
0xb3: {  	_ = 	snop  }
0xb4: {  	[spmem:s3] =	stream.indirect.scatter.add.f32 [tilespmem:s23], [sflag:$0x3], $0x80, s6, s16, $0xb8;
	[tilespmem:$0x1D400] =	vst v63  }
0xb5: {  	_ =	swait.ge [sflag:s14], $0x4000  }
0xb6: {  	[sflag:s14] =	ssyncset.done $0x0  }
0xb7: {  	[sflag:s14] =	ssyncadd.s32 $0xFFFFC000  }
0xb8: {  	_ =	swait.ge [sflag:s22], $0x4000  }
0xb9: {  	[sflag:s22] =	ssyncset.done $0x0  }
0xba: {  	[sflag:s22] =	ssyncadd.s32 $0xFFFFC000  }
0xbb: {  	[tilespmem:s23], [sflag:$0x2] =	stream.indirect.gather [hbm4b:s2+s16], $0x80, s7, s16, $0xb8;
	[tilespmem:$0x1D400] =	vst v63  }
0xbc: {  	_ = 	snop  }
0xbd: {  	[spmem:s3] =	stream.indirect.scatter.add.f32 [tilespmem:s15], [sflag:$0x3], $0x80, s8, s16, $0xb8;
	[tilespmem:$0x1D400] =	vst v63  }
0xbe: {  	_ =	swait.ge [sflag:s14], $0x4000  }
0xbf: {  	[sflag:s14] =	ssyncset.done $0x0  }
0xc0: {  	[sflag:s14] =	ssyncadd.s32 $0xFFFFC000  }
0xc1: {  	_ =	swait.ge [sflag:s24], $0x4000  }
0xc2: {  	[sflag:s24] =	ssyncset.done $0x0  }
0xc3: {  	[sflag:s24] =	ssyncadd.s32 $0xFFFFC000  }
0xc4: {  	[tilespmem:s15], [sflag:$0x1] =	stream.indirect.gather [hbm4b:s2+s16], $0x80, s9, s16, $0xb8;
	[tilespmem:$0x1D400] =	vst v63  }
0xc5: {  	_ = 	snop  }
0xc6: {  	[spmem:s3] =	stream.indirect.scatter.add.f32 [tilespmem:s23], [sflag:$0x3], $0x80, s10, s16, $0xb8;
	[tilespmem:$0x1D400] =	vst v63  }
0xc7: {  	_ =	swait.ge [sflag:s14], $0x4000  }
0xc8: {  	[sflag:s14] =	ssyncset.done $0x0  }
0xc9: {  	[sflag:s14] =	ssyncadd.s32 $0xFFFFC000  }
0xca: {  	_ =	swait.ge [sflag:s22], $0x4000  }
0xcb: {  	[sflag:s22] =	ssyncset.done $0x0  }
0xcc: {  	[sflag:s22] =	ssyncadd.s32 $0xFFFFC000  }
0xcd: {  	[tilespmem:s23], [sflag:$0x2] =	stream.indirect.gather [hbm4b:s2+s16], $0x80, s11, s16, $0xb8;
	[tilespmem:$0x1D400] =	vst v63  }
0xce: {  	_ = 	snop  }
0xcf: {  	[spmem:s3] =	stream.indirect.scatter.add.f32 [tilespmem:s15], [sflag:$0x3], $0x80, s12, s16, $0xb8;
	[tilespmem:$0x1D400] =	vst v63  }
0xd0: {  	_ =	swait.ge [sflag:s14], $0x4000  }
0xd1: {  	[sflag:s14] =	ssyncset.done $0x0  }
0xd2: {  	[sflag:s14] =	ssyncadd.s32 $0xFFFFC000  }
0xd3: {  	_ =	swait.ge [sflag:s24], $0x4000  }
0xd4: {  	[sflag:s24] =	ssyncset.done $0x0  }
0xd5: {  	[sflag:s24] =	ssyncadd.s32 $0xFFFFC000  }
0xd6: {  	[spmem:s3] =	stream.indirect.scatter.add.f32 [tilespmem:s23], [sflag:$0x3], $0x80, s17, s16, $0xb8;
	[tilespmem:$0x1D400] =	vst v63  }
0xd7: {  	s19 =	simm.s32 $0x100;
	_ =	swait.ge [sflag:s14], $0x4000  }
0xd8: {  	s20 =	simm.s32 $0x200;
	s13 =	rddreg [dreg:$0x6];
	[sflag:s14] =	ssyncset.done $0x0  }
.LBB2_2:
0xd9: {  	[sflag:s14] =	ssyncadd.s32 $0xFFFFC000;
	s13 =	sadd.s32 s19, s13  }
0xda: {  	[tilespmem:s4], [sflag:$0x3] =	stream.linear.gather [hbm4b:s13+s4], $0x800, $0x38;
	[tilespmem:$0x1D400] =	vst v63  }
0xdb: {  	_ =	swait.ge [sflag:s14], $0x800  }
0xdc: {  	s13 =	rddreg [dreg:$0x5];
	[sflag:s14] =	ssyncset.done $0x0  }
0xdd: {  	[sflag:s14] =	ssyncadd.s32 $0xFFFFF800;
	s13 =	sadd.s32 s19, s13  }
0xde: {  	[tilespmem:s21], [sflag:$0x3] =	stream.linear.gather [hbm4b:s13+s4], $0x800, $0x38;
	[tilespmem:$0x1D400] =	vst v63  }
0xdf: {  	_ =	swait.ge [sflag:s14], $0x800  }
0xe0: {  	[sflag:s14] =	ssyncset.done $0x0  }
0xe1: {  	[sflag:s14] =	ssyncadd.s32 $0xFFFFF800  }
0xe2: {  	[tilespmem:s15], [sflag:$0x1] =	stream.indirect.gather [hbm4b:s2+s16], $0x80, s4, s16, $0xb8;
	[tilespmem:$0x1D400] =	vst v63  }
0xe3: {  	_ =	swait.ge [sflag:s22], $0x4000  }
0xe4: {  	[sflag:s22] =	ssyncset.done $0x0  }
0xe5: {  	[sflag:s22] =	ssyncadd.s32 $0xFFFFC000  }
0xe6: {  	[tilespmem:s23], [sflag:$0x2] =	stream.indirect.gather [hbm4b:s2+s16], $0x80, s16, s16, $0xb8;
	[tilespmem:$0x1D400] =	vst v63  }
0xe7: {  	_ = 	snop  }
0xe8: {  	[spmem:s3] =	stream.indirect.scatter.add.f32 [tilespmem:s15], [sflag:$0x3], $0x80, s21, s16, $0xb8;
	[tilespmem:$0x1D400] =	vst v63  }
0xe9: {  	_ =	swait.ge [sflag:s14], $0x4000  }
0xea: {  	[sflag:s14] =	ssyncset.done $0x0  }
0xeb: {  	[sflag:s14] =	ssyncadd.s32 $0xFFFFC000  }
0xec: {  	_ =	swait.ge [sflag:s24], $0x4000  }
0xed: {  	[sflag:s24] =	ssyncset.done $0x0  }
0xee: {  	s18 =	smov.u32 s20;
	s13 =	rddreg [dreg:$0x7];
	[sflag:s24] =	ssyncadd.s32 $0xFFFFC000  }
0xef: {  	[tilespmem:s15], [sflag:$0x1] =	stream.indirect.gather [hbm4b:s2+s16], $0x80, s13, s16, $0xb8;
	[tilespmem:$0x1D400] =	vst v63  }
0xf0: {  	s19 =	smov.u32 s18;
	s18 =	rddreg [dreg:$0x8]  }
0xf1: {  	[spmem:s3] =	stream.indirect.scatter.add.f32 [tilespmem:s23], [sflag:$0x3], $0x80, s18, s16, $0xb8;
	[tilespmem:$0x1D400] =	vst v63  }
0xf2: {  	_ =	swait.ge [sflag:s14], $0x4000  }
0xf3: {  	[sflag:s14] =	ssyncset.done $0x0  }
0xf4: {  	[sflag:s14] =	ssyncadd.s32 $0xFFFFC000  }
0xf5: {  	_ =	swait.ge [sflag:s22], $0x4000  }
0xf6: {  	[sflag:s22] =	ssyncset.done $0x0  }
0xf7: {  	s13 =	rddreg [dreg:$0x9];
	[sflag:s22] =	ssyncadd.s32 $0xFFFFC000  }
0xf8: {  	[tilespmem:s23], [sflag:$0x2] =	stream.indirect.gather [hbm4b:s2+s16], $0x80, s13, s16, $0xb8;
	[tilespmem:$0x1D400] =	vst v63  }
0xf9: {  	s18 =	rddreg [dreg:$0xa]  }
0xfa: {  	[spmem:s3] =	stream.indirect.scatter.add.f32 [tilespmem:s15], [sflag:$0x3], $0x80, s18, s16, $0xb8;
	[tilespmem:$0x1D400] =	vst v63  }
0xfb: {  	_ =	swait.ge [sflag:s14], $0x4000  }
0xfc: {  	[sflag:s14] =	ssyncset.done $0x0  }
0xfd: {  	[sflag:s14] =	ssyncadd.s32 $0xFFFFC000  }
0xfe: {  	_ =	swait.ge [sflag:s24], $0x4000  }
0xff: {  	[sflag:s24] =	ssyncset.done $0x0  }
0x100: {  	s13 =	rddreg [dreg:$0xb];
	[sflag:s24] =	ssyncadd.s32 $0xFFFFC000  }
0x101: {  	[tilespmem:s15], [sflag:$0x1] =	stream.indirect.gather [hbm4b:s2+s16], $0x80, s13, s16, $0xb8;
	[tilespmem:$0x1D400] =	vst v63  }
0x102: {  	s18 =	rddreg [dreg:$0xc]  }
0x103: {  	[spmem:s3] =	stream.indirect.scatter.add.f32 [tilespmem:s23], [sflag:$0x3], $0x80, s18, s16, $0xb8;
	[tilespmem:$0x1D400] =	vst v63  }
0x104: {  	_ =	swait.ge [sflag:s14], $0x4000  }
0x105: {  	[sflag:s14] =	ssyncset.done $0x0  }
0x106: {  	[sflag:s14] =	ssyncadd.s32 $0xFFFFC000  }
0x107: {  	_ =	swait.ge [sflag:s22], $0x4000  }
0x108: {  	[sflag:s22] =	ssyncset.done $0x0  }
0x109: {  	s13 =	rddreg [dreg:$0xd];
	[sflag:s22] =	ssyncadd.s32 $0xFFFFC000  }
0x10a: {  	[tilespmem:s23], [sflag:$0x2] =	stream.indirect.gather [hbm4b:s2+s16], $0x80, s13, s16, $0xb8;
	[tilespmem:$0x1D400] =	vst v63  }
0x10b: {  	s18 =	rddreg [dreg:$0xe]  }
0x10c: {  	[spmem:s3] =	stream.indirect.scatter.add.f32 [tilespmem:s15], [sflag:$0x3], $0x80, s18, s16, $0xb8;
	[tilespmem:$0x1D400] =	vst v63  }
0x10d: {  	_ =	swait.ge [sflag:s14], $0x4000  }
0x10e: {  	[sflag:s14] =	ssyncset.done $0x0  }
0x10f: {  	[sflag:s14] =	ssyncadd.s32 $0xFFFFC000  }
0x110: {  	_ =	swait.ge [sflag:s24], $0x4000  }
0x111: {  	[sflag:s24] =	ssyncset.done $0x0  }
0x112: {  	s13 =	rddreg [dreg:$0xf];
	[sflag:s24] =	ssyncadd.s32 $0xFFFFC000  }
0x113: {  	[tilespmem:s15], [sflag:$0x1] =	stream.indirect.gather [hbm4b:s2+s16], $0x80, s13, s16, $0xb8;
	[tilespmem:$0x1D400] =	vst v63  }
0x114: {  	s18 =	rddreg [dreg:$0x10]  }
0x115: {  	[spmem:s3] =	stream.indirect.scatter.add.f32 [tilespmem:s23], [sflag:$0x3], $0x80, s18, s16, $0xb8;
	[tilespmem:$0x1D400] =	vst v63  }
0x116: {  	_ =	swait.ge [sflag:s14], $0x4000  }
0x117: {  	[sflag:s14] =	ssyncset.done $0x0  }
0x118: {  	[sflag:s14] =	ssyncadd.s32 $0xFFFFC000  }
0x119: {  	_ =	swait.ge [sflag:s22], $0x4000  }
0x11a: {  	[sflag:s22] =	ssyncset.done $0x0  }
0x11b: {  	s13 =	rddreg [dreg:$0x11];
	[sflag:s22] =	ssyncadd.s32 $0xFFFFC000  }
0x11c: {  	[tilespmem:s23], [sflag:$0x2] =	stream.indirect.gather [hbm4b:s2+s16], $0x80, s13, s16, $0xb8;
	[tilespmem:$0x1D400] =	vst v63  }
0x11d: {  	s18 =	rddreg [dreg:$0x12]  }
0x11e: {  	[spmem:s3] =	stream.indirect.scatter.add.f32 [tilespmem:s15], [sflag:$0x3], $0x80, s18, s16, $0xb8;
	[tilespmem:$0x1D400] =	vst v63  }
0x11f: {  	_ =	swait.ge [sflag:s14], $0x4000  }
0x120: {  	[sflag:s14] =	ssyncset.done $0x0  }
0x121: {  	[sflag:s14] =	ssyncadd.s32 $0xFFFFC000  }
0x122: {  	_ =	swait.ge [sflag:s24], $0x4000  }
0x123: {  	[sflag:s24] =	ssyncset.done $0x0  }
0x124: {  	[sflag:s24] =	ssyncadd.s32 $0xFFFFC000  }
0x125: {  	[tilespmem:s15], [sflag:$0x1] =	stream.indirect.gather [hbm4b:s2+s16], $0x80, s25, s16, $0xb8;
	[tilespmem:$0x1D400] =	vst v63  }
0x126: {  	_ = 	snop  }
0x127: {  	[spmem:s3] =	stream.indirect.scatter.add.f32 [tilespmem:s23], [sflag:$0x3], $0x80, s26, s16, $0xb8;
	[tilespmem:$0x1D400] =	vst v63  }
0x128: {  	_ =	swait.ge [sflag:s14], $0x4000  }
0x129: {  	[sflag:s14] =	ssyncset.done $0x0  }
0x12a: {  	[sflag:s14] =	ssyncadd.s32 $0xFFFFC000  }
0x12b: {  	_ =	swait.ge [sflag:s22], $0x4000  }
0x12c: {  	[sflag:s22] =	ssyncset.done $0x0  }
0x12d: {  	[sflag:s22] =	ssyncadd.s32 $0xFFFFC000  }
0x12e: {  	[tilespmem:s23], [sflag:$0x2] =	stream.indirect.gather [hbm4b:s2+s16], $0x80, s28, s16, $0xb8;
	[tilespmem:$0x1D400] =	vst v63  }
0x12f: {  	_ = 	snop  }
0x130: {  	[spmem:s3] =	stream.indirect.scatter.add.f32 [tilespmem:s15], [sflag:$0x3], $0x80, s29, s16, $0xb8;
	[tilespmem:$0x1D400] =	vst v63  }
0x131: {  	_ =	swait.ge [sflag:s14], $0x4000  }
0x132: {  	[sflag:s14] =	ssyncset.done $0x0  }
0x133: {  	[sflag:s14] =	ssyncadd.s32 $0xFFFFC000  }
0x134: {  	_ =	swait.ge [sflag:s24], $0x4000  }
0x135: {  	[sflag:s24] =	ssyncset.done $0x0  }
0x136: {  	[sflag:s24] =	ssyncadd.s32 $0xFFFFC000  }
0x137: {  	[tilespmem:s15], [sflag:$0x1] =	stream.indirect.gather [hbm4b:s2+s16], $0x80, s30, s16, $0xb8;
	[tilespmem:$0x1D400] =	vst v63  }
0x138: {  	_ = 	snop  }
0x139: {  	[spmem:s3] =	stream.indirect.scatter.add.f32 [tilespmem:s23], [sflag:$0x3], $0x80, s31, s16, $0xb8;
	[tilespmem:$0x1D400] =	vst v63  }
0x13a: {  	_ =	swait.ge [sflag:s14], $0x4000  }
0x13b: {  	[sflag:s14] =	ssyncset.done $0x0  }
0x13c: {  	[sflag:s14] =	ssyncadd.s32 $0xFFFFC000  }
0x13d: {  	_ =	swait.ge [sflag:s22], $0x4000  }
0x13e: {  	[sflag:s22] =	ssyncset.done $0x0  }
0x13f: {  	[sflag:s22] =	ssyncadd.s32 $0xFFFFC000  }
0x140: {  	[tilespmem:s23], [sflag:$0x2] =	stream.indirect.gather [hbm4b:s2+s16], $0x80, s1, s16, $0xb8;
	[tilespmem:$0x1D400] =	vst v63  }
0x141: {  	_ = 	snop  }
0x142: {  	[spmem:s3] =	stream.indirect.scatter.add.f32 [tilespmem:s15], [sflag:$0x3], $0x80, s0, s16, $0xb8;
	[tilespmem:$0x1D400] =	vst v63  }
0x143: {  	_ =	swait.ge [sflag:s14], $0x4000  }
0x144: {  	[sflag:s14] =	ssyncset.done $0x0  }
0x145: {  	[sflag:s14] =	ssyncadd.s32 $0xFFFFC000  }
0x146: {  	_ =	swait.ge [sflag:s24], $0x4000  }
0x147: {  	[sflag:s24] =	ssyncset.done $0x0  }
0x148: {  	[sflag:s24] =	ssyncadd.s32 $0xFFFFC000  }
0x149: {  	[tilespmem:s15], [sflag:$0x1] =	stream.indirect.gather [hbm4b:s2+s16], $0x80, s5, s16, $0xb8;
	[tilespmem:$0x1D400] =	vst v63  }
0x14a: {  	_ = 	snop  }
0x14b: {  	[spmem:s3] =	stream.indirect.scatter.add.f32 [tilespmem:s23], [sflag:$0x3], $0x80, s6, s16, $0xb8;
	[tilespmem:$0x1D400] =	vst v63  }
0x14c: {  	_ =	swait.ge [sflag:s14], $0x4000  }
0x14d: {  	[sflag:s14] =	ssyncset.done $0x0  }
0x14e: {  	[sflag:s14] =	ssyncadd.s32 $0xFFFFC000  }
0x14f: {  	_ =	swait.ge [sflag:s22], $0x4000  }
0x150: {  	[sflag:s22] =	ssyncset.done $0x0  }
0x151: {  	[sflag:s22] =	ssyncadd.s32 $0xFFFFC000  }
0x152: {  	[tilespmem:s23], [sflag:$0x2] =	stream.indirect.gather [hbm4b:s2+s16], $0x80, s7, s16, $0xb8;
	[tilespmem:$0x1D400] =	vst v63  }
0x153: {  	_ = 	snop  }
0x154: {  	[spmem:s3] =	stream.indirect.scatter.add.f32 [tilespmem:s15], [sflag:$0x3], $0x80, s8, s16, $0xb8;
	[tilespmem:$0x1D400] =	vst v63  }
0x155: {  	_ =	swait.ge [sflag:s14], $0x4000  }
0x156: {  	[sflag:s14] =	ssyncset.done $0x0  }
0x157: {  	[sflag:s14] =	ssyncadd.s32 $0xFFFFC000  }
0x158: {  	_ =	swait.ge [sflag:s24], $0x4000  }
0x159: {  	[sflag:s24] =	ssyncset.done $0x0  }
0x15a: {  	[sflag:s24] =	ssyncadd.s32 $0xFFFFC000  }
0x15b: {  	[tilespmem:s15], [sflag:$0x1] =	stream.indirect.gather [hbm4b:s2+s16], $0x80, s9, s16, $0xb8;
	[tilespmem:$0x1D400] =	vst v63  }
0x15c: {  	_ = 	snop  }
0x15d: {  	[spmem:s3] =	stream.indirect.scatter.add.f32 [tilespmem:s23], [sflag:$0x3], $0x80, s10, s16, $0xb8;
	[tilespmem:$0x1D400] =	vst v63  }
0x15e: {  	_ =	swait.ge [sflag:s14], $0x4000  }
0x15f: {  	[sflag:s14] =	ssyncset.done $0x0  }
0x160: {  	[sflag:s14] =	ssyncadd.s32 $0xFFFFC000  }
0x161: {  	_ =	swait.ge [sflag:s22], $0x4000  }
0x162: {  	[sflag:s22] =	ssyncset.done $0x0  }
0x163: {  	[sflag:s22] =	ssyncadd.s32 $0xFFFFC000  }
0x164: {  	[tilespmem:s23], [sflag:$0x2] =	stream.indirect.gather [hbm4b:s2+s16], $0x80, s11, s16, $0xb8;
	[tilespmem:$0x1D400] =	vst v63  }
0x165: {  	_ = 	snop  }
0x166: {  	[spmem:s3] =	stream.indirect.scatter.add.f32 [tilespmem:s15], [sflag:$0x3], $0x80, s12, s16, $0xb8;
	[tilespmem:$0x1D400] =	vst v63  }
0x167: {  	_ =	swait.ge [sflag:s14], $0x4000  }
0x168: {  	[sflag:s14] =	ssyncset.done $0x0  }
0x169: {  	[sflag:s14] =	ssyncadd.s32 $0xFFFFC000  }
0x16a: {  	p0 =	sne.s32 s20, $0x400;
	_ =	swait.ge [sflag:s24], $0x4000  }
.Ltmp0:
0x16b: {  	[sflag:s24] =	ssyncset.done $0x0;
	(pc) =	sbr.rel @p0 .LBB2_2-.Ltmp0, $4  }
0x16c: {  	[sflag:s24] =	ssyncadd.s32 $0xFFFFC000  }
0x16d: {  	[spmem:s3] =	stream.indirect.scatter.add.f32 [tilespmem:s23], [sflag:$0x3], $0x80, s17, s16, $0xb8;
	[tilespmem:$0x1D400] =	vst v63  }
0x16e: {  	_ =	swait.ge [sflag:s14], $0x4000  }
0x16f: {  	s20 =	sadd.s32 $0x100, s20;
	s13 =	rddreg [dreg:$0x6];
	[sflag:s14] =	ssyncset.done $0x0  }
0x170: {  	[sflag:s14] =	ssyncadd.s32 $0xFFFFC000;
	s13 =	sadd.s32 s19, s13  }
0x171: {  	[tilespmem:s4], [sflag:$0x3] =	stream.linear.gather [hbm4b:s13+s4], $0x800, $0x38;
	[tilespmem:$0x1D400] =	vst v63  }
0x172: {  	_ =	swait.ge [sflag:s14], $0x800  }
0x173: {  	s18 =	rddreg [dreg:$0x5];
	[sflag:s14] =	ssyncset.done $0x0  }
0x174: {  	[sflag:s14] =	ssyncadd.s32 $0xFFFFF800;
	s13 =	sadd.s32 s19, s18  }
0x175: {  	[tilespmem:s21], [sflag:$0x3] =	stream.linear.gather [hbm4b:s13+s4], $0x800, $0x38;
	[tilespmem:$0x1D400] =	vst v63  }
0x176: {  	_ =	swait.ge [sflag:s14], $0x800  }
0x177: {  	[sflag:s14] =	ssyncset.done $0x0  }
0x178: {  	[sflag:s14] =	ssyncadd.s32 $0xFFFFF800  }
0x179: {  	[tilespmem:s15], [sflag:$0x1] =	stream.indirect.gather [hbm4b:s2+s16], $0x80, s4, s16, $0xb8;
	[tilespmem:$0x1D400] =	vst v63  }
0x17a: {  	_ =	swait.ge [sflag:s22], $0x4000  }
0x17b: {  	[sflag:s22] =	ssyncset.done $0x0  }
0x17c: {  	[sflag:s22] =	ssyncadd.s32 $0xFFFFC000  }
0x17d: {  	[tilespmem:s23], [sflag:$0x2] =	stream.indirect.gather [hbm4b:s2+s16], $0x80, s16, s16, $0xb8;
	[tilespmem:$0x1D400] =	vst v63  }
0x17e: {  	_ = 	snop  }
0x17f: {  	[spmem:s3] =	stream.indirect.scatter.add.f32 [tilespmem:s15], [sflag:$0x3], $0x80, s21, s16, $0xb8;
	[tilespmem:$0x1D400] =	vst v63  }
0x180: {  	_ =	swait.ge [sflag:s14], $0x4000  }
0x181: {  	[sflag:s14] =	ssyncset.done $0x0  }
0x182: {  	[sflag:s14] =	ssyncadd.s32 $0xFFFFC000  }
0x183: {  	_ =	swait.ge [sflag:s24], $0x4000  }
0x184: {  	[sflag:s24] =	ssyncset.done $0x0  }
0x185: {  	s20 =	rddreg [dreg:$0x7];
	[sflag:s24] =	ssyncadd.s32 $0xFFFFC000  }
0x186: {  	[tilespmem:s15], [sflag:$0x1] =	stream.indirect.gather [hbm4b:s2+s16], $0x80, s20, s16, $0xb8;
	[tilespmem:$0x1D400] =	vst v63  }
0x187: {  	s18 =	rddreg [dreg:$0x8]  }
0x188: {  	[spmem:s3] =	stream.indirect.scatter.add.f32 [tilespmem:s23], [sflag:$0x3], $0x80, s18, s16, $0xb8;
	[tilespmem:$0x1D400] =	vst v63  }
0x189: {  	_ =	swait.ge [sflag:s14], $0x4000  }
0x18a: {  	[sflag:s14] =	ssyncset.done $0x0  }
0x18b: {  	[sflag:s14] =	ssyncadd.s32 $0xFFFFC000  }
0x18c: {  	_ =	swait.ge [sflag:s22], $0x4000  }
0x18d: {  	[sflag:s22] =	ssyncset.done $0x0  }
0x18e: {  	s19 =	rddreg [dreg:$0x9];
	[sflag:s22] =	ssyncadd.s32 $0xFFFFC000  }
0x18f: {  	[tilespmem:s23], [sflag:$0x2] =	stream.indirect.gather [hbm4b:s2+s16], $0x80, s19, s16, $0xb8;
	[tilespmem:$0x1D400] =	vst v63  }
0x190: {  	s20 =	rddreg [dreg:$0xa]  }
0x191: {  	[spmem:s3] =	stream.indirect.scatter.add.f32 [tilespmem:s15], [sflag:$0x3], $0x80, s20, s16, $0xb8;
	[tilespmem:$0x1D400] =	vst v63  }
0x192: {  	_ =	swait.ge [sflag:s14], $0x4000  }
0x193: {  	[sflag:s14] =	ssyncset.done $0x0  }
0x194: {  	[sflag:s14] =	ssyncadd.s32 $0xFFFFC000  }
0x195: {  	_ =	swait.ge [sflag:s24], $0x4000  }
0x196: {  	[sflag:s24] =	ssyncset.done $0x0  }
0x197: {  	s19 =	rddreg [dreg:$0xb];
	[sflag:s24] =	ssyncadd.s32 $0xFFFFC000  }
0x198: {  	[tilespmem:s15], [sflag:$0x1] =	stream.indirect.gather [hbm4b:s2+s16], $0x80, s19, s16, $0xb8;
	[tilespmem:$0x1D400] =	vst v63  }
0x199: {  	s20 =	rddreg [dreg:$0xc]  }
0x19a: {  	[spmem:s3] =	stream.indirect.scatter.add.f32 [tilespmem:s23], [sflag:$0x3], $0x80, s20, s16, $0xb8;
	[tilespmem:$0x1D400] =	vst v63  }
0x19b: {  	_ =	swait.ge [sflag:s14], $0x4000  }
0x19c: {  	[sflag:s14] =	ssyncset.done $0x0  }
0x19d: {  	[sflag:s14] =	ssyncadd.s32 $0xFFFFC000  }
0x19e: {  	_ =	swait.ge [sflag:s22], $0x4000  }
0x19f: {  	[sflag:s22] =	ssyncset.done $0x0  }
0x1a0: {  	s19 =	rddreg [dreg:$0xd];
	[sflag:s22] =	ssyncadd.s32 $0xFFFFC000  }
0x1a1: {  	[tilespmem:s23], [sflag:$0x2] =	stream.indirect.gather [hbm4b:s2+s16], $0x80, s19, s16, $0xb8;
	[tilespmem:$0x1D400] =	vst v63  }
0x1a2: {  	s20 =	rddreg [dreg:$0xe]  }
0x1a3: {  	[spmem:s3] =	stream.indirect.scatter.add.f32 [tilespmem:s15], [sflag:$0x3], $0x80, s20, s16, $0xb8;
	[tilespmem:$0x1D400] =	vst v63  }
0x1a4: {  	_ =	swait.ge [sflag:s14], $0x4000  }
0x1a5: {  	[sflag:s14] =	ssyncset.done $0x0  }
0x1a6: {  	[sflag:s14] =	ssyncadd.s32 $0xFFFFC000  }
0x1a7: {  	_ =	swait.ge [sflag:s24], $0x4000  }
0x1a8: {  	[sflag:s24] =	ssyncset.done $0x0  }
0x1a9: {  	s19 =	rddreg [dreg:$0xf];
	[sflag:s24] =	ssyncadd.s32 $0xFFFFC000  }
0x1aa: {  	[tilespmem:s15], [sflag:$0x1] =	stream.indirect.gather [hbm4b:s2+s16], $0x80, s19, s16, $0xb8;
	[tilespmem:$0x1D400] =	vst v63  }
0x1ab: {  	s20 =	rddreg [dreg:$0x10]  }
0x1ac: {  	[spmem:s3] =	stream.indirect.scatter.add.f32 [tilespmem:s23], [sflag:$0x3], $0x80, s20, s16, $0xb8;
	[tilespmem:$0x1D400] =	vst v63  }
0x1ad: {  	_ =	swait.ge [sflag:s14], $0x4000  }
0x1ae: {  	[sflag:s14] =	ssyncset.done $0x0  }
0x1af: {  	[sflag:s14] =	ssyncadd.s32 $0xFFFFC000  }
0x1b0: {  	_ =	swait.ge [sflag:s22], $0x4000  }
0x1b1: {  	[sflag:s22] =	ssyncset.done $0x0  }
0x1b2: {  	s19 =	rddreg [dreg:$0x11];
	[sflag:s22] =	ssyncadd.s32 $0xFFFFC000  }
0x1b3: {  	[tilespmem:s23], [sflag:$0x2] =	stream.indirect.gather [hbm4b:s2+s16], $0x80, s19, s16, $0xb8;
	[tilespmem:$0x1D400] =	vst v63  }
0x1b4: {  	s20 =	rddreg [dreg:$0x12]  }
0x1b5: {  	[spmem:s3] =	stream.indirect.scatter.add.f32 [tilespmem:s15], [sflag:$0x3], $0x80, s20, s16, $0xb8;
	[tilespmem:$0x1D400] =	vst v63  }
0x1b6: {  	_ =	swait.ge [sflag:s14], $0x4000  }
0x1b7: {  	[sflag:s14] =	ssyncset.done $0x0  }
0x1b8: {  	[sflag:s14] =	ssyncadd.s32 $0xFFFFC000  }
0x1b9: {  	_ =	swait.ge [sflag:s24], $0x4000  }
0x1ba: {  	[sflag:s24] =	ssyncset.done $0x0  }
0x1bb: {  	[sflag:s24] =	ssyncadd.s32 $0xFFFFC000  }
0x1bc: {  	[tilespmem:s15], [sflag:$0x1] =	stream.indirect.gather [hbm4b:s2+s16], $0x80, s25, s16, $0xb8;
	[tilespmem:$0x1D400] =	vst v63  }
0x1bd: {  	_ = 	snop  }
0x1be: {  	[spmem:s3] =	stream.indirect.scatter.add.f32 [tilespmem:s23], [sflag:$0x3], $0x80, s26, s16, $0xb8;
	[tilespmem:$0x1D400] =	vst v63  }
0x1bf: {  	_ =	swait.ge [sflag:s14], $0x4000  }
0x1c0: {  	[sflag:s14] =	ssyncset.done $0x0  }
0x1c1: {  	[sflag:s14] =	ssyncadd.s32 $0xFFFFC000  }
0x1c2: {  	_ =	swait.ge [sflag:s22], $0x4000  }
0x1c3: {  	[sflag:s22] =	ssyncset.done $0x0  }
0x1c4: {  	[sflag:s22] =	ssyncadd.s32 $0xFFFFC000  }
0x1c5: {  	[tilespmem:s23], [sflag:$0x2] =	stream.indirect.gather [hbm4b:s2+s16], $0x80, s28, s16, $0xb8;
	[tilespmem:$0x1D400] =	vst v63  }
0x1c6: {  	_ = 	snop  }
0x1c7: {  	[spmem:s3] =	stream.indirect.scatter.add.f32 [tilespmem:s15], [sflag:$0x3], $0x80, s29, s16, $0xb8;
	[tilespmem:$0x1D400] =	vst v63  }
0x1c8: {  	_ =	swait.ge [sflag:s14], $0x4000  }
0x1c9: {  	[sflag:s14] =	ssyncset.done $0x0  }
0x1ca: {  	[sflag:s14] =	ssyncadd.s32 $0xFFFFC000  }
0x1cb: {  	_ =	swait.ge [sflag:s24], $0x4000  }
0x1cc: {  	[sflag:s24] =	ssyncset.done $0x0  }
0x1cd: {  	[sflag:s24] =	ssyncadd.s32 $0xFFFFC000  }
0x1ce: {  	[tilespmem:s15], [sflag:$0x1] =	stream.indirect.gather [hbm4b:s2+s16], $0x80, s30, s16, $0xb8;
	[tilespmem:$0x1D400] =	vst v63  }
0x1cf: {  	_ = 	snop  }
0x1d0: {  	[spmem:s3] =	stream.indirect.scatter.add.f32 [tilespmem:s23], [sflag:$0x3], $0x80, s31, s16, $0xb8;
	[tilespmem:$0x1D400] =	vst v63  }
0x1d1: {  	_ =	swait.ge [sflag:s14], $0x4000  }
0x1d2: {  	[sflag:s14] =	ssyncset.done $0x0  }
0x1d3: {  	[sflag:s14] =	ssyncadd.s32 $0xFFFFC000  }
0x1d4: {  	_ =	swait.ge [sflag:s22], $0x4000  }
0x1d5: {  	[sflag:s22] =	ssyncset.done $0x0  }
0x1d6: {  	[sflag:s22] =	ssyncadd.s32 $0xFFFFC000  }
0x1d7: {  	[tilespmem:s23], [sflag:$0x2] =	stream.indirect.gather [hbm4b:s2+s16], $0x80, s1, s16, $0xb8;
	[tilespmem:$0x1D400] =	vst v63  }
0x1d8: {  	_ = 	snop  }
0x1d9: {  	[spmem:s3] =	stream.indirect.scatter.add.f32 [tilespmem:s15], [sflag:$0x3], $0x80, s0, s16, $0xb8;
	[tilespmem:$0x1D400] =	vst v63  }
0x1da: {  	_ =	swait.ge [sflag:s14], $0x4000  }
0x1db: {  	[sflag:s14] =	ssyncset.done $0x0  }
0x1dc: {  	[sflag:s14] =	ssyncadd.s32 $0xFFFFC000  }
0x1dd: {  	_ =	swait.ge [sflag:s24], $0x4000  }
0x1de: {  	[sflag:s24] =	ssyncset.done $0x0  }
0x1df: {  	[sflag:s24] =	ssyncadd.s32 $0xFFFFC000  }
0x1e0: {  	[tilespmem:s15], [sflag:$0x1] =	stream.indirect.gather [hbm4b:s2+s16], $0x80, s5, s16, $0xb8;
	[tilespmem:$0x1D400] =	vst v63  }
0x1e1: {  	_ = 	snop  }
0x1e2: {  	[spmem:s3] =	stream.indirect.scatter.add.f32 [tilespmem:s23], [sflag:$0x3], $0x80, s6, s16, $0xb8;
	[tilespmem:$0x1D400] =	vst v63  }
0x1e3: {  	_ =	swait.ge [sflag:s14], $0x4000  }
0x1e4: {  	[sflag:s14] =	ssyncset.done $0x0  }
0x1e5: {  	[sflag:s14] =	ssyncadd.s32 $0xFFFFC000  }
0x1e6: {  	_ =	swait.ge [sflag:s22], $0x4000  }
0x1e7: {  	[sflag:s22] =	ssyncset.done $0x0  }
0x1e8: {  	[sflag:s22] =	ssyncadd.s32 $0xFFFFC000  }
0x1e9: {  	[tilespmem:s23], [sflag:$0x2] =	stream.indirect.gather [hbm4b:s2+s16], $0x80, s7, s16, $0xb8;
	[tilespmem:$0x1D400] =	vst v63  }
0x1ea: {  	_ = 	snop  }
0x1eb: {  	[spmem:s3] =	stream.indirect.scatter.add.f32 [tilespmem:s15], [sflag:$0x3], $0x80, s8, s16, $0xb8;
	[tilespmem:$0x1D400] =	vst v63  }
0x1ec: {  	_ =	swait.ge [sflag:s14], $0x4000  }
0x1ed: {  	[sflag:s14] =	ssyncset.done $0x0  }
0x1ee: {  	[sflag:s14] =	ssyncadd.s32 $0xFFFFC000  }
0x1ef: {  	_ =	swait.ge [sflag:s24], $0x4000  }
0x1f0: {  	[sflag:s24] =	ssyncset.done $0x0  }
0x1f1: {  	[sflag:s24] =	ssyncadd.s32 $0xFFFFC000  }
0x1f2: {  	[tilespmem:s15], [sflag:$0x1] =	stream.indirect.gather [hbm4b:s2+s16], $0x80, s9, s16, $0xb8;
	[tilespmem:$0x1D400] =	vst v63  }
0x1f3: {  	_ = 	snop  }
0x1f4: {  	[spmem:s3] =	stream.indirect.scatter.add.f32 [tilespmem:s23], [sflag:$0x3], $0x80, s10, s16, $0xb8;
	[tilespmem:$0x1D400] =	vst v63  }
0x1f5: {  	_ =	swait.ge [sflag:s14], $0x4000  }
0x1f6: {  	[sflag:s14] =	ssyncset.done $0x0  }
0x1f7: {  	[sflag:s14] =	ssyncadd.s32 $0xFFFFC000  }
0x1f8: {  	_ =	swait.ge [sflag:s22], $0x4000  }
0x1f9: {  	[sflag:s22] =	ssyncset.done $0x0  }
0x1fa: {  	[sflag:s22] =	ssyncadd.s32 $0xFFFFC000  }
0x1fb: {  	[tilespmem:s23], [sflag:$0x2] =	stream.indirect.gather [hbm4b:s2+s16], $0x80, s11, s16, $0xb8;
	[tilespmem:$0x1D400] =	vst v63  }
0x1fc: {  	_ = 	snop  }
0x1fd: {  	[spmem:s3] =	stream.indirect.scatter.add.f32 [tilespmem:s15], [sflag:$0x3], $0x80, s12, s16, $0xb8;
	[tilespmem:$0x1D400] =	vst v63  }
0x1fe: {  	_ =	swait.ge [sflag:s14], $0x4000  }
0x1ff: {  	[sflag:s14] =	ssyncset.done $0x0  }
0x200: {  	[sflag:s14] =	ssyncadd.s32 $0xFFFFC000  }
0x201: {  	_ =	swait.ge [sflag:s24], $0x4000  }
0x202: {  	[sflag:s24] =	ssyncset.done $0x0  }
0x203: {  	[sflag:s24] =	ssyncadd.s32 $0xFFFFC000  }
0x204: {  	[spmem:s3] =	stream.indirect.scatter.add.f32 [tilespmem:s23], [sflag:$0x3], $0x80, s17, s16, $0xb8;
	[tilespmem:$0x1D400] =	vst v63  }
0x205: {  	_ =	swait.ge [sflag:s14], $0x4000  }
0x206: {  	[sflag:s14] =	ssyncset.done $0x0  }
0x207: {  	[sflag:s14] =	ssyncadd.s32 $0xFFFFC000  }
0x208: {  	s18 =	simm.s32 $0x1000;
	[bflag:$0x0] =	sbarrier.arrive $0xFFFF  }
0x209: {  	[tilespmem:s15], [sflag:$0x1] =	stream.indirect.gather [spmem:s3], $0x80, s18, s16, $0xb8;
	[tilespmem:$0x1D400] =	vst v63  }
0x20a: {  	_ =	swait.ge [sflag:s22], $0x4000  }
0x20b: {  	[sflag:s22] =	ssyncset.done $0x0  }
0x20c: {  	s19 =	rddreg [dreg:$0x15];
	[sflag:s22] =	ssyncadd.s32 $0xFFFFC000  }
0x20d: {  	[hbm4b:s19+s4] =	stream.linear.scatter [tilespmem:s15], [sflag:$0x3], $0x4000, $0x38;
	[tilespmem:$0x1D400] =	vst v63  }
0x20e: {  	_ =	swait.ge [sflag:s14], $0x4000  }
0x20f: {  	[sflag:s14] =	ssyncset.done $0x0  }
0x210: {  	s20 =	simm.s32 $0x1080;
	[sflag:s14] =	ssyncadd.s32 $0xFFFFC000  }
0x211: {  	[tilespmem:s15], [sflag:$0x1] =	stream.indirect.gather [spmem:s3], $0x80, s20, s16, $0xb8;
	[tilespmem:$0x1D400] =	vst v63  }
0x212: {  	_ =	swait.ge [sflag:s22], $0x4000  }
0x213: {  	[sflag:s22] =	ssyncset.done $0x0  }
0x214: {  	s18 =	rddreg [dreg:$0x16];
	[sflag:s22] =	ssyncadd.s32 $0xFFFFC000  }
0x215: {  	[hbm4b:s18+s4] =	stream.linear.scatter [tilespmem:s15], [sflag:$0x3], $0x4000, $0x38;
	[tilespmem:$0x1D400] =	vst v63  }
0x216: {  	_ =	swait.ge [sflag:s14], $0x4000  }
0x217: {  	[sflag:s14] =	ssyncset.done $0x0  }
0x218: {  	s19 =	simm.s32 $0x1100;
	[sflag:s14] =	ssyncadd.s32 $0xFFFFC000  }
0x219: {  	[tilespmem:s15], [sflag:$0x1] =	stream.indirect.gather [spmem:s3], $0x80, s19, s16, $0xb8;
	[tilespmem:$0x1D400] =	vst v63  }
0x21a: {  	_ =	swait.ge [sflag:s22], $0x4000  }
0x21b: {  	[sflag:s22] =	ssyncset.done $0x0  }
0x21c: {  	s20 =	rddreg [dreg:$0x17];
	[sflag:s22] =	ssyncadd.s32 $0xFFFFC000  }
0x21d: {  	[hbm4b:s20+s4] =	stream.linear.scatter [tilespmem:s15], [sflag:$0x3], $0x4000, $0x38;
	[tilespmem:$0x1D400] =	vst v63  }
0x21e: {  	_ =	swait.ge [sflag:s14], $0x4000  }
0x21f: {  	[sflag:s14] =	ssyncset.done $0x0  }
0x220: {  	s19 =	simm.s32 $0x1180;
	[sflag:s14] =	ssyncadd.s32 $0xFFFFC000  }
0x221: {  	[tilespmem:s15], [sflag:$0x1] =	stream.indirect.gather [spmem:s3], $0x80, s19, s16, $0xb8;
	[tilespmem:$0x1D400] =	vst v63  }
0x222: {  	_ =	swait.ge [sflag:s22], $0x4000  }
0x223: {  	[sflag:s22] =	ssyncset.done $0x0  }
0x224: {  	s18 =	rddreg [dreg:$0x18];
	[sflag:s22] =	ssyncadd.s32 $0xFFFFC000  }
0x225: {  	[hbm4b:s18+s4] =	stream.linear.scatter [tilespmem:s15], [sflag:$0x3], $0x4000, $0x38;
	[tilespmem:$0x1D400] =	vst v63  }
0x226: {  	_ =	swait.ge [sflag:s14], $0x4000  }
0x227: {  	[sflag:s14] =	ssyncset.done $0x0  }
0x228: {  	s18 =	simm.s32 $0x1200;
	[sflag:s14] =	ssyncadd.s32 $0xFFFFC000  }
0x229: {  	[tilespmem:s15], [sflag:$0x1] =	stream.indirect.gather [spmem:s3], $0x80, s18, s16, $0xb8;
	[tilespmem:$0x1D400] =	vst v63  }
0x22a: {  	_ =	swait.ge [sflag:s22], $0x4000  }
0x22b: {  	[sflag:s22] =	ssyncset.done $0x0  }
0x22c: {  	s20 =	rddreg [dreg:$0x19];
	[sflag:s22] =	ssyncadd.s32 $0xFFFFC000  }
0x22d: {  	[hbm4b:s20+s4] =	stream.linear.scatter [tilespmem:s15], [sflag:$0x3], $0x4000, $0x38;
	[tilespmem:$0x1D400] =	vst v63  }
0x22e: {  	_ =	swait.ge [sflag:s14], $0x4000  }
0x22f: {  	s20 =	rddreg [dreg:$0x1b]  }
0x230: {  	s13 =	rddreg [dreg:$0x1a];
	s20 =	sadd.s32 $0x1, s20  }
0x231: {  	p0 =	sne.s32 s20, s13  }
.Ltmp1:
0x232: {  	_ = 	snop;
	(pc) =	sbr.rel @p0 .LBB2_1-.Ltmp1, $3  }
0x233: {  	_ =	sdelay $0x1  }
0x234: {  	[sflag:s14] =	ssyncset.done $0x0  }
0x235: {  	[sflag:s14] =	ssyncadd.s32 $0xFFFFC000;
	[dreg:$0x1b] =	wrdreg s20;
	s20 =	simm.s32 $0x1000  }
0x236: {  	_ =	sfence.sel $0x180000  }
0x237: {  	[bflag:$0x0] =	sbarrier.arrive $0xFFFF  }
0x238: {  	_ =	strace $0x90000047  }
0x239: {  	s0 =	stileid.u32;
	[bflag:$0x2] =	sbarrier.arrive $0xFFFF  }
0x23a: {  	p0 =	sne.s32 s0, $0x0;
	s0 =	rddreg [dreg:$0x4]  }
0x23b: {  	s0 =	sadd.s32 @!p0 $0x100000, s0  }
0x23c: {  	[sflag:s0] =	ssyncadd.tile.s32 @!p0 $0x1;
	_ =	shalt  }
.Lfunc_end2:
_tile_overlayer_lowered:
.L_overlay_start_2:
0x23d: {  	(tag) =	ssettag $0x2  }
0x23e: {  	s0 =	rddreg [dreg:$0x0];
	s2 =	stileid.u32  }
0x23f: {  	s1 =	rddreg [dreg:$0x1];
	p0 =	sne.s32 s2, $0x0  }
0x240: {  	s3 =	rddreg [dreg:$0x2];
	[bflag:$0x3] =	sbarrier.arrive $0xFFFF;
	s2 =	simm.s32 @!p0 $0x1C03  }
0x241: {  	[timem:s3], [sflag:s2] =	dma.local @!p0 [hbm:s0], s1  }
0x242: {  	s0 =	simm.s32 @!p0 $0x3  }
0x243: {  	_ =	swait.ge @!p0 [sflag:s0], s1  }
0x244: {  	s1 =	ssub.s32 @!p0 $0x0, s1;
	[sflag:s0] =	ssyncset.done @!p0 $0x0  }
0x245: {  	[sflag:s0] =	ssyncadd.s32 @!p0 s1  }
0x246: {  	[bflag:$0x3] =	sbarrier.arrive $0xFFFF  }
0x247: {  	_ =	shalt  }

</sc_bundles>
